<compile_context>
chip_gen: v7x
topology: tpu7x:2x2x1
jax: 0.10.2.dev20260603
libtpu: 0.0.44.dev20260713+nightly
codegen_flags: <defaults>
</compile_context>

<pallas_src>
import jax
import jax.numpy as jnp
from jax import lax
from jax.experimental import pallas as pl
from jax.experimental.pallas import tpu as pltpu
from jax.experimental.pallas import tpu_sc as plsc

_B, _T, _D = 4, 8192, 1024
_NS = 8
_ME = 32
_THR = 2.0
_MINEV = 4
_TV = 512
_TU = _T // 8


def _select_kernel(z_ref, mask_ref, times_ref, kvec_ref):
    s = jnp.max(jnp.abs(z_ref[...]), axis=1)
    it = (jax.lax.broadcasted_iota(jnp.int32, (_B, 8, _TU), 1) * _TU
          + jax.lax.broadcasted_iota(jnp.int32, (_B, 8, _TU), 2))

    n_above = jnp.sum(
        jnp.sum((s > _THR).astype(jnp.int32), axis=2, keepdims=True),
        axis=1, keepdims=True)
    k = jnp.where(n_above < _MINEV, _ME, jnp.minimum(n_above, _ME))

    pos3 = jax.lax.broadcasted_iota(jnp.int32, (_B, 1, _ME), 2)

    def body(j, carry):
        x, tacc = carry
        m = jnp.max(jnp.max(x, axis=2, keepdims=True), axis=1, keepdims=True)
        cand = jnp.where(x == jnp.broadcast_to(m, (_B, 8, _TU)), it, _T)
        iv = jnp.min(jnp.min(cand, axis=2, keepdims=True), axis=1,
                     keepdims=True)
        tacc = jnp.where(pos3 == j, jnp.broadcast_to(iv, (_B, 1, _ME)), tacc)
        x = jnp.where(it == jnp.broadcast_to(iv, (_B, 8, _TU)), -1.0, x)
        return x, tacc

    _, times_v = jax.lax.fori_loop(
        0, _ME, body, (s, jnp.zeros((_B, 1, _ME), jnp.int32)))

    eye = (jax.lax.broadcasted_iota(jnp.int32, (_ME, _ME), 0)
           == jax.lax.broadcasted_iota(jnp.int32, (_ME, _ME), 1)
           ).astype(jnp.float32)

    def tmul(a):
        return jax.lax.dot_general(a, eye, (((0,), (0,)), ((), ())),
                                   preferred_element_type=jnp.float32,
                                   precision=jax.lax.Precision.HIGHEST)

    pos_row = jax.lax.broadcasted_iota(jnp.int32, (1, _ME), 1)
    tsi_parts, valid_parts = [], []
    for b in range(_B):
        tv = times_v[b]
        kb = k[b]
        valid = pos_row < jnp.broadcast_to(kb, (1, _ME))
        tprime = jnp.where(valid, tv, _T).astype(jnp.float32)
        tp_cols = jnp.broadcast_to(tprime, (_ME, _ME))
        tp_rows = tmul(tp_cols)
        rank = jnp.sum((tp_rows < tp_cols).astype(jnp.float32), axis=0,
                       keepdims=True)
        rank_rows = tmul(jnp.broadcast_to(rank, (_ME, _ME)))
        q = ((rank_rows.astype(jnp.int32)
              == jax.lax.broadcasted_iota(jnp.int32, (_ME, _ME), 1))
             & (jax.lax.broadcasted_iota(jnp.int32, (_ME, _ME), 0)
                < jnp.broadcast_to(kb, (_ME, _ME)))
             ).astype(jnp.float32)
        tsorted = jax.lax.dot_general(tv.astype(jnp.float32), q,
                                      (((1,), (0,)), ((), ())),
                                      preferred_element_type=jnp.float32,
                                      precision=jax.lax.Precision.HIGHEST)
        tsi_parts.append(tsorted.astype(jnp.int32))
        valid_parts.append(valid.astype(jnp.int32))

    tsi = jnp.concatenate(tsi_parts, axis=0)
    valid_all = jnp.concatenate(valid_parts, axis=0)
    kb_all = jnp.concatenate([jnp.broadcast_to(k[b], (1, _ME))
                              for b in range(_B)], axis=0)

    mask_ref[...] = valid_all[:, None, :]
    times_ref[...] = tsi[:, None, :]
    kvec_ref[...] = kb_all[:, None, :]


def _sc_gather(times_ref, h_ref, tt_ref, rows_out, ttrows_out,
               fin, idxv, hrows, ttrv, semh, semt):
    c = lax.axis_index("c")
    s = lax.axis_index("s")
    batch = 2 * c + s // 8
    part = s % 8
    iota = lax.broadcasted_iota(jnp.int32, (16,), 0)

    @pl.when(part == 0)
    def _():
        pltpu.sync_copy(times_ref.at[batch], fin)
        f0 = plsc.load_gather(fin, [iota])
        f1 = plsc.load_gather(fin, [16 + iota])
        plsc.store_scatter(idxv, [iota], batch * _T + f0)
        plsc.store_scatter(idxv, [16 + iota], batch * _T + f1)
        pltpu.async_copy(h_ref.at[idxv], hrows, semh).wait()
        pltpu.sync_copy(hrows, rows_out.at[pl.ds(batch * _ME, _ME)])
        plsc.store_scatter(idxv, [iota], jnp.minimum(f0, _TV - 1))
        plsc.store_scatter(idxv, [16 + iota], jnp.minimum(f1, _TV - 1))
        pltpu.async_copy(tt_ref.at[idxv], ttrv, semt).wait()
        pltpu.sync_copy(ttrv, ttrows_out.at[pl.ds(batch * _ME, _ME)])


def _sc_gather_call(times2, h2d, tt):
    mesh = plsc.VectorSubcoreMesh(core_axis_name="c", subcore_axis_name="s")
    f = pl.kernel(
        _sc_gather,
        out_type=[
            jax.ShapeDtypeStruct((_B * _ME, _D), jnp.float32),
            jax.ShapeDtypeStruct((_B * _ME, _D), jnp.float32),
        ],
        mesh=mesh,
        compiler_params=pltpu.CompilerParams(needs_layout_passes=False),
        scratch_types=[
            pltpu.VMEM((_ME,), jnp.int32),
            pltpu.VMEM((_ME,), jnp.int32),
            pltpu.VMEM((_ME, _D), jnp.float32),
            pltpu.VMEM((_ME, _D), jnp.float32),
            pltpu.SemaphoreType.DMA,
            pltpu.SemaphoreType.DMA,
        ],
    )
    return f(times2, h2d, tt)


def _tc_project(rows_ref, ttrows_ref, W_ref, b_ref, k_ref, out_ref):
    parts = []
    for b in range(_B):
        kb = k_ref[b, 0]
        rb = rows_ref[pl.ds(b * _ME, _ME), :]
        gated = jnp.where(
            jax.lax.broadcasted_iota(jnp.int32, (_ME, _D), 0) < kb, rb, 0.0)
        parts.append(gated)
    gated_all = jnp.concatenate(parts, axis=0)
    entries = (jax.lax.dot_general(gated_all, W_ref[...],
                                   (((1,), (1,)), ((), ())),
                                   preferred_element_type=jnp.float32)
               + b_ref[...] + ttrows_ref[...])
    out_ref[...] = entries.reshape(_B, _ME, _D)


def kernel(h_seq, z_per_step, W, b, time_table):
    z_r = z_per_step.transpose(0, 2, 1).reshape(_B, _NS, 8, _TU)
    mask_i, times, kvec = pl.pallas_call(
        _select_kernel,
        grid=(1,),
        in_specs=[pl.BlockSpec((_B, _NS, 8, _TU), lambda i: (0, 0, 0, 0))],
        out_specs=[
            pl.BlockSpec((_B, 1, _ME), lambda i: (0, 0, 0)),
            pl.BlockSpec((_B, 1, _ME), lambda i: (0, 0, 0)),
            pl.BlockSpec((_B, 1, _ME), lambda i: (0, 0, 0)),
        ],
        out_shape=[
            jax.ShapeDtypeStruct((_B, 1, _ME), jnp.int32),
            jax.ShapeDtypeStruct((_B, 1, _ME), jnp.int32),
            jax.ShapeDtypeStruct((_B, 1, _ME), jnp.int32),
        ],
    )(z_r)
    times2 = times.reshape(_B, _ME)
    h2d = h_seq.reshape(_B * _T, _D)
    rows, ttrows = _sc_gather_call(times2, h2d, time_table)
    entries = pl.pallas_call(
        _tc_project,
        grid=(1,),
        in_specs=[
            pl.BlockSpec((_B * _ME, _D), lambda i: (0, 0)),
            pl.BlockSpec((_B * _ME, _D), lambda i: (0, 0)),
            pl.BlockSpec((_D, _D), lambda i: (0, 0)),
            pl.BlockSpec((1, _D), lambda i: (0, 0)),
            pl.BlockSpec(memory_space=pltpu.SMEM),
        ],
        out_specs=pl.BlockSpec((_B, _ME, _D), lambda i: (0, 0, 0)),
        out_shape=jax.ShapeDtypeStruct((_B, _ME, _D), jnp.float32),
    )(rows, ttrows, W, b.reshape(1, _D), kvec.reshape(_B, _ME))
    return entries, mask_i.reshape(_B, _ME).astype(bool), times2

# --- scband reference (transcript-rebuilt; emitter-appended) ---
"""Pipeline reference for scband-event-tape-369367187857 (READ-ONLY COPY).

The authoritative reference and input builder live on the scoring server;
editing this copy changes nothing except your own understanding.
"""

import jax, jax.numpy as jnp
import numpy as np

B, T, D = 4, 8192, 1024
N_SLOTS = 8
MAX_EVENTS = 32
THRESHOLD = 2.0
MIN_EVENTS = 4
TIME_VOCAB = 512


def setup_inputs(seed: int = 0) -> dict:
    key = jax.random.key(seed)
    k1, k2, k3, k4 = jax.random.split(key, 4)
    h_seq = jax.random.normal(k1, (B, T, D), dtype=jnp.float32)
    z_per_step = jax.random.normal(k2, (B, T, N_SLOTS), dtype=jnp.float32)
    W = jax.random.normal(k3, (D, D), dtype=jnp.float32) * (1.0 / np.sqrt(D))
    b = jnp.zeros((D,), dtype=jnp.float32)
    time_table = jax.random.normal(k4, (TIME_VOCAB, D), dtype=jnp.float32) * 0.02
    return {"h_seq": h_seq, "z_per_step": z_per_step, "W": W, "b": b, "time_table": time_table}


def _select(s):
    # s: (T,) total surprise for one batch element -> (times[MAX_EVENTS], mask[MAX_EVENTS])
    Tlen = s.shape[0]
    above = s > THRESHOLD
    n_above = jnp.sum(above.astype(jnp.int32))
    # Case B: use thresholded events; if more than MAX_EVENTS keep highest-surprise ones, time-sorted
    masked = jnp.where(above, s, -jnp.inf)
    _, idxB = jax.lax.top_k(masked, MAX_EVENTS)
    pos = jnp.arange(MAX_EVENTS)
    n_validB = jnp.minimum(n_above, MAX_EVENTS)
    validB = pos < n_validB
    timesB = jnp.sort(jnp.where(validB, idxB, Tlen))
    timesB = jnp.where(validB, timesB, 0)
    # Case A: fewer than MIN_EVENTS events -> top-k fallback over all timesteps, time-sorted
    _, idxA = jax.lax.top_k(s, MAX_EVENTS)
    timesA = jnp.sort(idxA)
    maskA = jnp.ones((MAX_EVENTS,), dtype=bool)
    use_A = n_above < MIN_EVENTS
    times = jnp.where(use_A, timesA, timesB)
    mask = jnp.where(use_A, maskA, validB)
    return times, mask


def reference(h_seq, z_per_step, W, b, time_table):
    # total surprise: max |z| over slots
    s = jnp.max(jnp.abs(z_per_step), axis=-1)  # (B, T)
    times, mask = jax.vmap(_select)(s)  # (B, MAX_EVENTS), (B, MAX_EVENTS)
    times = times.astype(jnp.int32)
    # gather event hidden states (scatter/gather memory op)
    tape_h = jnp.take_along_axis(h_seq, times[:, :, None], axis=1)  # (B, MAX_EVENTS, D)
    tape_h = jnp.where(mask[:, :, None], tape_h, 0.0)
    # entry projection + time embedding lookup
    tape_entries = tape_h @ W.T + b + jnp.take(time_table, jnp.clip(times, 0, TIME_VOCAB - 1), axis=0)
    return tape_entries, mask, times

if __name__ == "__main__":
    import jax
    _d = setup_inputs()
    print(jax.jit(kernel)(*tuple(_d.values())))

</pallas_src>

<mosaic_0001>
#map = affine_map<(d0, d1) -> (0, 0)>
module attributes {stable_mosaic.version = 14 : i64} {
  func.func @_sc_gather(%arg0: i32, %arg1: i32, %arg2: memref<4x32xi32, #tpu.memory_space<hbm>>, %arg3: memref<32768x1024xf32, #tpu.memory_space<hbm>>, %arg4: memref<512x1024xf32, #tpu.memory_space<hbm>>, %arg5: memref<128x1024xf32, #tpu.memory_space<hbm>>, %arg6: memref<128x1024xf32, #tpu.memory_space<hbm>>, %arg7: memref<32xi32, #tpu.memory_space<vmem>>, %arg8: memref<32xi32, #tpu.memory_space<vmem>>, %arg9: memref<32x1024xf32, #tpu.memory_space<vmem>>, %arg10: memref<32x1024xf32, #tpu.memory_space<vmem>>, %arg11: memref<!tpu.dma_semaphore, #tpu.memory_space<semaphore_mem>>, %arg12: memref<!tpu.dma_semaphore, #tpu.memory_space<semaphore_mem>>) attributes {dimension_semantics = [#tpu.dimension_semantics<core_parallel>, #tpu.dimension_semantics<subcore_parallel>], iteration_bounds = array<i64: 2, 16>, scalar_prefetch = 0 : i64, scratch_operands = 6 : i64, tpu.core_type = #tpu.core_type<sc_vector_subcore>, window_params = [{transform_indices = #map}, {transform_indices = #map}, {transform_indices = #map}, {transform_indices = #map}, {transform_indices = #map}]} {
    %mul3A = arith.constant 2 : i32
    %mul3A_0 = arith.muli %mul3A, %arg0 : i32
    %jit3A = arith.constant 8 : i32
    %div3A = arith.divsi %arg1, %jit3A : i32
    %sign3A = arith.constant 0 : i32
    %sign3A_1 = arith.cmpi sgt, %arg1, %sign3A : i32
    %sign3A_2 = arith.extui %sign3A_1 : i1 to i32
    %sign3A_3 = arith.constant 0 : i32
    %sign3A_4 = arith.cmpi slt, %arg1, %sign3A_3 : i32
    %sign3A_5 = arith.extui %sign3A_4 : i1 to i32
    %sign3A_6 = arith.subi %sign3A_2, %sign3A_5 : i32
    %sign3A_7 = arith.constant 0 : i32
    %sign3A_8 = arith.cmpi sgt, %jit3A, %sign3A_7 : i32
    %sign3A_9 = arith.extui %sign3A_8 : i1 to i32
    %sign3A_10 = arith.constant 0 : i32
    %sign3A_11 = arith.cmpi slt, %jit3A, %sign3A_10 : i32
    %sign3A_12 = arith.extui %sign3A_11 : i1 to i32
    %sign3A_13 = arith.subi %sign3A_9, %sign3A_12 : i32
    %ne3A = arith.cmpi ne, %sign3A_6, %sign3A_13 : i32
    %rem3A = arith.remsi %arg1, %jit3A : i32
    %ne3A_14 = arith.constant 0 : i32
    %ne3A_15 = arith.cmpi ne, %rem3A, %ne3A_14 : i32
    %and3A = arith.andi %ne3A, %ne3A_15 : i1
    %sub3A = arith.constant 1 : i32
    %sub3A_16 = arith.subi %div3A, %sub3A : i32
    %select_n3A = arith.select %and3A, %sub3A_16, %div3A : i32
    %add3A = arith.addi %mul3A_0, %select_n3A : i32
    %jit3A_17 = arith.constant 8 : i32
    %eq3A = arith.constant 0 : i32
    %eq3A_18 = arith.cmpi eq, %jit3A_17, %eq3A : i32
    %jit3A_19 = arith.constant 1 : i32
    %select_n3A_20 = arith.select %eq3A_18, %jit3A_19, %jit3A_17 : i32
    %rem3A_21 = arith.remsi %arg1, %select_n3A_20 : i32
    %ne3A_22 = arith.constant 0 : i32
    %ne3A_23 = arith.cmpi ne, %rem3A_21, %ne3A_22 : i32
    %lt3A = arith.constant 0 : i32
    %lt3A_24 = arith.cmpi slt, %rem3A_21, %lt3A : i32
    %lt3A_25 = arith.constant 0 : i32
    %lt3A_26 = arith.cmpi slt, %select_n3A_20, %lt3A_25 : i32
    %ne3A_27 = arith.xori %lt3A_24, %lt3A_26 : i1
    %and3A_28 = arith.andi %ne3A_27, %ne3A_23 : i1
    %add3A_29 = arith.addi %rem3A_21, %select_n3A_20 : i32
    %select_n3A_30 = arith.select %and3A_28, %add3A_29, %rem3A_21 : i32
    %iota3A = tpu.iota {dimensions = array<i32: 0>} : vector<16xi32>
    %eq3A_31 = arith.constant 0 : i32
    %eq3A_32 = arith.cmpi eq, %select_n3A_30, %eq3A_31 : i32
    %convert_element_type3A = arith.extui %eq3A_32 : i1 to i32
    %cond3A = arith.constant 0 : i32
    %cond3A_33 = arith.cmpi ne, %convert_element_type3A, %cond3A : i32
    scf.if %cond3A_33 {
      "tpu.region"() ({
        %run_scoped3A = tpu.sem_alloc : memref<!tpu.dma_semaphore, #tpu.memory_space<semaphore_mem>>
        %dma_start3A_71 = arith.constant 0 : i32
        %dma_start3A_72 = tpu.memref_slice %arg2[%add3A, %dma_start3A_71] : memref<4x32xi32, #tpu.memory_space<hbm>> -> memref<1x32xi32, #tpu.memory_space<hbm>>
        %dma_start3A_73 = tpu.memref_squeeze %dma_start3A_72 : memref<1x32xi32, #tpu.memory_space<hbm>> -> memref<32xi32, #tpu.memory_space<hbm>>
        %dma_start3A_74 = arith.constant 0 : i32
        %dma_start3A_75 = tpu.memref_slice %arg2[%add3A, %dma_start3A_74] : memref<4x32xi32, #tpu.memory_space<hbm>> -> memref<1x32xi32, #tpu.memory_space<hbm>>
        %dma_start3A_76 = tpu.memref_squeeze %dma_start3A_75 : memref<1x32xi32, #tpu.memory_space<hbm>> -> memref<32xi32, #tpu.memory_space<hbm>>
        tpu.enqueue_dma source(%dma_start3A_76 : memref<32xi32, #tpu.memory_space<hbm>>) target(%arg7 : memref<32xi32, #tpu.memory_space<vmem>>) target_semaphore(%run_scoped3A : memref<!tpu.dma_semaphore, #tpu.memory_space<semaphore_mem>>)
        %dma_wait3A_77 = arith.constant 0 : i32
        %dma_wait3A_78 = tpu.memref_slice %arg2[%add3A, %dma_wait3A_77] : memref<4x32xi32, #tpu.memory_space<hbm>> -> memref<1x32xi32, #tpu.memory_space<hbm>>
        %dma_wait3A_79 = tpu.memref_squeeze %dma_wait3A_78 : memref<1x32xi32, #tpu.memory_space<hbm>> -> memref<32xi32, #tpu.memory_space<hbm>>
        %dma_wait3A_80 = arith.constant 0 : i32
        %dma_wait3A_81 = tpu.memref_slice %arg2[%add3A, %dma_wait3A_80] : memref<4x32xi32, #tpu.memory_space<hbm>> -> memref<1x32xi32, #tpu.memory_space<hbm>>
        %dma_wait3A_82 = tpu.memref_squeeze %dma_wait3A_81 : memref<1x32xi32, #tpu.memory_space<hbm>> -> memref<32xi32, #tpu.memory_space<hbm>>
        tpu.wait_dma2 semaphore(%run_scoped3A : memref<!tpu.dma_semaphore, #tpu.memory_space<semaphore_mem>>) src(%dma_wait3A_82 : memref<32xi32, #tpu.memory_space<hbm>>) dst(%arg7 : memref<32xi32, #tpu.memory_space<vmem>>)
        tpu.yield
      }) : () -> ()
      %gather3A = tpu.vector_load_idx %arg7[%iota3A] : memref<32xi32, #tpu.memory_space<vmem>>[vector<16xi32>], vector<16xi32>,
      %add3A_34 = arith.constant 16 : i32
      %add3A_35 = vector.broadcast %add3A_34 : i32 to vector<16xi32>
      %add3A_36 = arith.addi %add3A_35, %iota3A : vector<16xi32>
      %gather3A_37 = tpu.vector_load_idx %arg7[%add3A_36] : memref<32xi32, #tpu.memory_space<vmem>>[vector<16xi32>], vector<16xi32>,
      %mul3A_38 = arith.constant 8192 : i32
      %mul3A_39 = arith.muli %add3A, %mul3A_38 : i32
      %add3A_40 = vector.broadcast %mul3A_39 : i32 to vector<16xi32>
      %add3A_41 = arith.addi %add3A_40, %gather3A : vector<16xi32>
      tpu.vector_store_idx %arg8[%iota3A], %add3A_41 : memref<32xi32, #tpu.memory_space<vmem>>[vector<16xi32>], vector<16xi32>,
      %add3A_42 = arith.constant 16 : i32
      %add3A_43 = vector.broadcast %add3A_42 : i32 to vector<16xi32>
      %add3A_44 = arith.addi %add3A_43, %iota3A : vector<16xi32>
      %mul3A_45 = arith.constant 8192 : i32
      %mul3A_46 = arith.muli %add3A, %mul3A_45 : i32
      %add3A_47 = vector.broadcast %mul3A_46 : i32 to vector<16xi32>
      %add3A_48 = arith.addi %add3A_47, %gather3A_37 : vector<16xi32>
      tpu.vector_store_idx %arg8[%add3A_44], %add3A_48 : memref<32xi32, #tpu.memory_space<vmem>>[vector<16xi32>], vector<16xi32>,
      %dma_start3A = arith.constant 0 : i32
      %dma_start3A_49 = arith.constant 0 : i32
      %dma_start3A_50 = tpu.memref_slice %arg3[%dma_start3A, %dma_start3A_49] : memref<32768x1024xf32, #tpu.memory_space<hbm>> -> memref<32768x1024xf32, #tpu.memory_space<hbm>>
      tpu.enqueue_indirect_dma source(%dma_start3A_50 : memref<32768x1024xf32, #tpu.memory_space<hbm>>) target(%arg9 : memref<32x1024xf32, #tpu.memory_space<vmem>>) offsets(%arg8 : memref<32xi32, #tpu.memory_space<vmem>>) semaphore(%arg11 : memref<!tpu.dma_semaphore, #tpu.memory_space<semaphore_mem>>)
      %dma_wait3A = arith.constant 0 : i32
      %dma_wait3A_51 = arith.constant 0 : i32
      %dma_wait3A_52 = tpu.memref_slice %arg3[%dma_wait3A, %dma_wait3A_51] : memref<32768x1024xf32, #tpu.memory_space<hbm>> -> memref<32768x1024xf32, #tpu.memory_space<hbm>>
      tpu.wait_indirect_dma semaphore(%arg11 : memref<!tpu.dma_semaphore, #tpu.memory_space<semaphore_mem>>) src(%dma_wait3A_52 : memref<32768x1024xf32, #tpu.memory_space<hbm>>) dst(%arg9 : memref<32x1024xf32, #tpu.memory_space<vmem>>)
      %mul3A_53 = arith.constant 32 : i32
      %mul3A_54 = arith.muli %add3A, %mul3A_53 : i32
      "tpu.region"() ({
        %run_scoped3A = tpu.sem_alloc : memref<!tpu.dma_semaphore, #tpu.memory_space<semaphore_mem>>
        %dma_start3A_71 = arith.constant 0 : i32
        %dma_start3A_72 = tpu.memref_slice %arg5[%mul3A_54, %dma_start3A_71] : memref<128x1024xf32, #tpu.memory_space<hbm>> -> memref<32x1024xf32, #tpu.memory_space<hbm>>
        %dma_start3A_73 = arith.constant 0 : i32
        %dma_start3A_74 = tpu.memref_slice %arg5[%mul3A_54, %dma_start3A_73] : memref<128x1024xf32, #tpu.memory_space<hbm>> -> memref<32x1024xf32, #tpu.memory_space<hbm>>
        tpu.enqueue_dma source(%arg9 : memref<32x1024xf32, #tpu.memory_space<vmem>>) target(%dma_start3A_74 : memref<32x1024xf32, #tpu.memory_space<hbm>>) target_semaphore(%run_scoped3A : memref<!tpu.dma_semaphore, #tpu.memory_space<semaphore_mem>>)
        %dma_wait3A_75 = arith.constant 0 : i32
        %dma_wait3A_76 = tpu.memref_slice %arg5[%mul3A_54, %dma_wait3A_75] : memref<128x1024xf32, #tpu.memory_space<hbm>> -> memref<32x1024xf32, #tpu.memory_space<hbm>>
        %dma_wait3A_77 = arith.constant 0 : i32
        %dma_wait3A_78 = tpu.memref_slice %arg5[%mul3A_54, %dma_wait3A_77] : memref<128x1024xf32, #tpu.memory_space<hbm>> -> memref<32x1024xf32, #tpu.memory_space<hbm>>
        tpu.wait_dma2 semaphore(%run_scoped3A : memref<!tpu.dma_semaphore, #tpu.memory_space<semaphore_mem>>) src(%arg9 : memref<32x1024xf32, #tpu.memory_space<vmem>>) dst(%dma_wait3A_78 : memref<32x1024xf32, #tpu.memory_space<hbm>>)
        tpu.yield
      }) : () -> ()
      %min3A = arith.constant 511 : i32
      %min3A_55 = vector.broadcast %min3A : i32 to vector<16xi32>
      %min3A_56 = arith.minsi %gather3A, %min3A_55 : vector<16xi32>
      tpu.vector_store_idx %arg8[%iota3A], %min3A_56 : memref<32xi32, #tpu.memory_space<vmem>>[vector<16xi32>], vector<16xi32>,
      %add3A_57 = arith.constant 16 : i32
      %add3A_58 = vector.broadcast %add3A_57 : i32 to vector<16xi32>
      %add3A_59 = arith.addi %add3A_58, %iota3A : vector<16xi32>
      %min3A_60 = arith.constant 511 : i32
      %min3A_61 = vector.broadcast %min3A_60 : i32 to vector<16xi32>
      %min3A_62 = arith.minsi %gather3A_37, %min3A_61 : vector<16xi32>
      tpu.vector_store_idx %arg8[%add3A_59], %min3A_62 : memref<32xi32, #tpu.memory_space<vmem>>[vector<16xi32>], vector<16xi32>,
      %dma_start3A_63 = arith.constant 0 : i32
      %dma_start3A_64 = arith.constant 0 : i32
      %dma_start3A_65 = tpu.memref_slice %arg4[%dma_start3A_63, %dma_start3A_64] : memref<512x1024xf32, #tpu.memory_space<hbm>> -> memref<512x1024xf32, #tpu.memory_space<hbm>>
      tpu.enqueue_indirect_dma source(%dma_start3A_65 : memref<512x1024xf32, #tpu.memory_space<hbm>>) target(%arg10 : memref<32x1024xf32, #tpu.memory_space<vmem>>) offsets(%arg8 : memref<32xi32, #tpu.memory_space<vmem>>) semaphore(%arg12 : memref<!tpu.dma_semaphore, #tpu.memory_space<semaphore_mem>>)
      %dma_wait3A_66 = arith.constant 0 : i32
      %dma_wait3A_67 = arith.constant 0 : i32
      %dma_wait3A_68 = tpu.memref_slice %arg4[%dma_wait3A_66, %dma_wait3A_67] : memref<512x1024xf32, #tpu.memory_space<hbm>> -> memref<512x1024xf32, #tpu.memory_space<hbm>>
      tpu.wait_indirect_dma semaphore(%arg12 : memref<!tpu.dma_semaphore, #tpu.memory_space<semaphore_mem>>) src(%dma_wait3A_68 : memref<512x1024xf32, #tpu.memory_space<hbm>>) dst(%arg10 : memref<32x1024xf32, #tpu.memory_space<vmem>>)
      %mul3A_69 = arith.constant 32 : i32
      %mul3A_70 = arith.muli %add3A, %mul3A_69 : i32
      "tpu.region"() ({
        %run_scoped3A = tpu.sem_alloc : memref<!tpu.dma_semaphore, #tpu.memory_space<semaphore_mem>>
        %dma_start3A_71 = arith.constant 0 : i32
        %dma_start3A_72 = tpu.memref_slice %arg6[%mul3A_70, %dma_start3A_71] : memref<128x1024xf32, #tpu.memory_space<hbm>> -> memref<32x1024xf32, #tpu.memory_space<hbm>>
        %dma_start3A_73 = arith.constant 0 : i32
        %dma_start3A_74 = tpu.memref_slice %arg6[%mul3A_70, %dma_start3A_73] : memref<128x1024xf32, #tpu.memory_space<hbm>> -> memref<32x1024xf32, #tpu.memory_space<hbm>>
        tpu.enqueue_dma source(%arg10 : memref<32x1024xf32, #tpu.memory_space<vmem>>) target(%dma_start3A_74 : memref<32x1024xf32, #tpu.memory_space<hbm>>) target_semaphore(%run_scoped3A : memref<!tpu.dma_semaphore, #tpu.memory_space<semaphore_mem>>)
        %dma_wait3A_75 = arith.constant 0 : i32
        %dma_wait3A_76 = tpu.memref_slice %arg6[%mul3A_70, %dma_wait3A_75] : memref<128x1024xf32, #tpu.memory_space<hbm>> -> memref<32x1024xf32, #tpu.memory_space<hbm>>
        %dma_wait3A_77 = arith.constant 0 : i32
        %dma_wait3A_78 = tpu.memref_slice %arg6[%mul3A_70, %dma_wait3A_77] : memref<128x1024xf32, #tpu.memory_space<hbm>> -> memref<32x1024xf32, #tpu.memory_space<hbm>>
        tpu.wait_dma2 semaphore(%run_scoped3A : memref<!tpu.dma_semaphore, #tpu.memory_space<semaphore_mem>>) src(%arg10 : memref<32x1024xf32, #tpu.memory_space<vmem>>) dst(%dma_wait3A_78 : memref<32x1024xf32, #tpu.memory_space<hbm>>)
        tpu.yield
      }) : () -> ()
    } else {
    }
    return
  }
}

module attributes {stable_mosaic.version = 14 : i64} {
  func.func @_tc_project(%arg0: i32, %arg1: memref<128x1024xf32, #tpu.memory_space<vmem>>, %arg2: memref<128x1024xf32, #tpu.memory_space<vmem>>, %arg3: memref<1024x1024xf32, #tpu.memory_space<vmem>>, %arg4: memref<1x1024xf32, #tpu.memory_space<vmem>>, %arg5: memref<4x32xi32, #tpu.memory_space<smem>>, %arg6: memref<4x32x1024xf32, #tpu.memory_space<vmem>>) attributes {dimension_semantics = [#tpu.dimension_semantics<arbitrary>], iteration_bounds = array<i64: 1>, scalar_prefetch = 0 : i64, scratch_operands = 0 : i64, tpu.core_type = #tpu.core_type<tc>, window_params = [{pipeline_mode = #tpu.pipeline_mode<synchronous>, transform_indices = @transform_0, window_bounds = array<i64: 128, 1024>}, {pipeline_mode = #tpu.pipeline_mode<synchronous>, transform_indices = @transform_1, window_bounds = array<i64: 128, 1024>}, {pipeline_mode = #tpu.pipeline_mode<synchronous>, transform_indices = @transform_2, window_bounds = array<i64: 1024, 1024>}, {pipeline_mode = #tpu.pipeline_mode<synchronous>, transform_indices = @transform_3, window_bounds = array<i64: 1, 1024>}, {transform_indices = @transform_4, window_bounds = array<i64: 4, 32>}, {pipeline_mode = #tpu.pipeline_mode<synchronous>, transform_indices = @transform_5, window_bounds = array<i64: 4, 32, 1024>}]} {
    %get3A = arith.constant 0 : index
    %get3A_0 = arith.constant 0 : index
    %get3A_1 = memref.load %arg5[%get3A, %get3A_0] : memref<4x32xi32, #tpu.memory_space<smem>>
    %get3A_2 = arith.constant 0 : index
    %get3A_3 = arith.constant 0 : index
    %get3A_4 = vector.load %arg1[%get3A_2, %get3A_3] : memref<128x1024xf32, #tpu.memory_space<vmem>>, vector<32x1024xf32>
    %iota3A = tpu.iota {dimensions = array<i32: 0>} : vector<32x1024xi32>
    %lt3A = vector.broadcast %get3A_1 : i32 to vector<32x1024xi32>
    %lt3A_5 = arith.cmpi slt, %iota3A, %lt3A : vector<32x1024xi32>
    %jit3A = arith.constant 0.000000e+00 : f32
    %broadcast_in_dim3A = vector.broadcast %jit3A : f32 to vector<32x1024xf32>
    %select_n3A = arith.select %lt3A_5, %get3A_4, %broadcast_in_dim3A : vector<32x1024xi1>, vector<32x1024xf32>
    %get3A_6 = arith.constant 1 : index
    %get3A_7 = arith.constant 0 : index
    %get3A_8 = memref.load %arg5[%get3A_6, %get3A_7] : memref<4x32xi32, #tpu.memory_space<smem>>
    %get3A_9 = arith.constant 32 : index
    %get3A_10 = arith.constant 0 : index
    %get3A_11 = vector.load %arg1[%get3A_9, %get3A_10] : memref<128x1024xf32, #tpu.memory_space<vmem>>, vector<32x1024xf32>
    %iota3A_12 = tpu.iota {dimensions = array<i32: 0>} : vector<32x1024xi32>
    %lt3A_13 = vector.broadcast %get3A_8 : i32 to vector<32x1024xi32>
    %lt3A_14 = arith.cmpi slt, %iota3A_12, %lt3A_13 : vector<32x1024xi32>
    %jit3A_15 = arith.constant 0.000000e+00 : f32
    %broadcast_in_dim3A_16 = vector.broadcast %jit3A_15 : f32 to vector<32x1024xf32>
    %select_n3A_17 = arith.select %lt3A_14, %get3A_11, %broadcast_in_dim3A_16 : vector<32x1024xi1>, vector<32x1024xf32>
    %get3A_18 = arith.constant 2 : index
    %get3A_19 = arith.constant 0 : index
    %get3A_20 = memref.load %arg5[%get3A_18, %get3A_19] : memref<4x32xi32, #tpu.memory_space<smem>>
    %get3A_21 = arith.constant 64 : index
    %get3A_22 = arith.constant 0 : index
    %get3A_23 = vector.load %arg1[%get3A_21, %get3A_22] : memref<128x1024xf32, #tpu.memory_space<vmem>>, vector<32x1024xf32>
    %iota3A_24 = tpu.iota {dimensions = array<i32: 0>} : vector<32x1024xi32>
    %lt3A_25 = vector.broadcast %get3A_20 : i32 to vector<32x1024xi32>
    %lt3A_26 = arith.cmpi slt, %iota3A_24, %lt3A_25 : vector<32x1024xi32>
    %jit3A_27 = arith.constant 0.000000e+00 : f32
    %broadcast_in_dim3A_28 = vector.broadcast %jit3A_27 : f32 to vector<32x1024xf32>
    %select_n3A_29 = arith.select %lt3A_26, %get3A_23, %broadcast_in_dim3A_28 : vector<32x1024xi1>, vector<32x1024xf32>
    %get3A_30 = arith.constant 3 : index
    %get3A_31 = arith.constant 0 : index
    %get3A_32 = memref.load %arg5[%get3A_30, %get3A_31] : memref<4x32xi32, #tpu.memory_space<smem>>
    %get3A_33 = arith.constant 96 : index
    %get3A_34 = arith.constant 0 : index
    %get3A_35 = vector.load %arg1[%get3A_33, %get3A_34] : memref<128x1024xf32, #tpu.memory_space<vmem>>, vector<32x1024xf32>
    %iota3A_36 = tpu.iota {dimensions = array<i32: 0>} : vector<32x1024xi32>
    %lt3A_37 = vector.broadcast %get3A_32 : i32 to vector<32x1024xi32>
    %lt3A_38 = arith.cmpi slt, %iota3A_36, %lt3A_37 : vector<32x1024xi32>
    %jit3A_39 = arith.constant 0.000000e+00 : f32
    %broadcast_in_dim3A_40 = vector.broadcast %jit3A_39 : f32 to vector<32x1024xf32>
    %select_n3A_41 = arith.select %lt3A_38, %get3A_35, %broadcast_in_dim3A_40 : vector<32x1024xi1>, vector<32x1024xf32>
    %concatenate3A = tpu.concatenate %select_n3A, %select_n3A_17, %select_n3A_29, %select_n3A_41 in 0 : vector<32x1024xf32>, vector<32x1024xf32>, vector<32x1024xf32>, vector<32x1024xf32> -> vector<128x1024xf32>
    %get3A_42 = arith.constant 0 : index
    %get3A_43 = arith.constant 0 : index
    %get3A_44 = vector.load %arg3[%get3A_42, %get3A_43] : memref<1024x1024xf32, #tpu.memory_space<vmem>>, vector<1024x1024xf32>
    %dot_general3A = arith.constant dense<0.000000e+00> : vector<128x1024xf32>
    %dot_general3A_45 = tpu.matmul %concatenate3A, %get3A_44, %dot_general3A {dimension_numbers = #tpu.dot_dimension_numbers<[1], [1], [0], [0], [0, 0, 1, 0], [], []>, transpose_lhs_hint = false} : vector<128x1024xf32>, vector<1024x1024xf32>, vector<128x1024xf32> -> vector<128x1024xf32>
    %get3A_46 = arith.constant 0 : index
    %get3A_47 = arith.constant 0 : index
    %get3A_48 = vector.load %arg4[%get3A_46, %get3A_47] : memref<1x1024xf32, #tpu.memory_space<vmem>>, vector<1x1024xf32>
    %add3A = vector.broadcast %get3A_48 : vector<1x1024xf32> to vector<128x1024xf32>
    %add3A_49 = arith.addf %dot_general3A_45, %add3A : vector<128x1024xf32>
    %get3A_50 = arith.constant 0 : index
    %get3A_51 = arith.constant 0 : index
    %get3A_52 = vector.load %arg2[%get3A_50, %get3A_51] : memref<128x1024xf32, #tpu.memory_space<vmem>>, vector<128x1024xf32>
    %add3A_53 = arith.addf %add3A_49, %get3A_52 : vector<128x1024xf32>
    %reshape3A = vector.shape_cast %add3A_53 : vector<128x1024xf32> to vector<4x32x1024xf32>
    %swap3A = arith.constant 0 : index
    %swap3A_54 = arith.constant 0 : index
    %swap3A_55 = arith.constant 0 : index
    %swap3A_56 = vector.load %arg6[%swap3A, %swap3A_54, %swap3A_55] : memref<4x32x1024xf32, #tpu.memory_space<vmem>>, vector<4x32x1024xf32>
    tpu.vector_store %arg6[%swap3A, %swap3A_54, %swap3A_55], %reshape3A {strides = array<i32>} : memref<4x32x1024xf32, #tpu.memory_space<vmem>>, vector<4x32x1024xf32>,
    return
  }
  func.func @transform_0(%arg0: i32) -> (i32, i32) {
    %c0_i32 = arith.constant 0 : i32
    %c0_i32_0 = arith.constant 0 : i32
    %c0_i32_1 = arith.constant 0 : i32
    return %c0_i32, %c0_i32_0 : i32, i32
  }
  func.func @transform_1(%arg0: i32) -> (i32, i32) {
    %c0_i32 = arith.constant 0 : i32
    %c0_i32_0 = arith.constant 0 : i32
    %c0_i32_1 = arith.constant 0 : i32
    return %c0_i32, %c0_i32_0 : i32, i32
  }
  func.func @transform_2(%arg0: i32) -> (i32, i32) {
    %c0_i32 = arith.constant 0 : i32
    %c0_i32_0 = arith.constant 0 : i32
    %c0_i32_1 = arith.constant 0 : i32
    return %c0_i32, %c0_i32_0 : i32, i32
  }
  func.func @transform_3(%arg0: i32) -> (i32, i32) {
    %c0_i32 = arith.constant 0 : i32
    %c0_i32_0 = arith.constant 0 : i32
    %c0_i32_1 = arith.constant 0 : i32
    return %c0_i32, %c0_i32_0 : i32, i32
  }
  func.func @transform_4(%arg0: i32) -> (i32, i32) {
    %c0_i32 = arith.constant 0 : i32
    %c0_i32_0 = arith.constant 0 : i32
    %c0_i32_1 = arith.constant 0 : i32
    return %c0_i32, %c0_i32_0 : i32, i32
  }
  func.func @transform_5(%arg0: i32) -> (i32, i32, i32) {
    %c0_i32 = arith.constant 0 : i32
    %c0_i32_0 = arith.constant 0 : i32
    %c0_i32_1 = arith.constant 0 : i32
    %c0_i32_2 = arith.constant 0 : i32
    return %c0_i32, %c0_i32_0, %c0_i32_1 : i32, i32, i32
  }
}

module attributes {stable_mosaic.version = 14 : i64} {
  func.func @_select_kernel(%arg0: i32, %arg1: memref<4x8x8x1024xf32, #tpu.memory_space<vmem>>, %arg2: memref<4x1x32xi32, #tpu.memory_space<vmem>>, %arg3: memref<4x1x32xi32, #tpu.memory_space<vmem>>, %arg4: memref<4x1x32xi32, #tpu.memory_space<vmem>>) attributes {dimension_semantics = [#tpu.dimension_semantics<arbitrary>], iteration_bounds = array<i64: 1>, scalar_prefetch = 0 : i64, scratch_operands = 0 : i64, tpu.core_type = #tpu.core_type<tc>, window_params = [{pipeline_mode = #tpu.pipeline_mode<synchronous>, transform_indices = @transform_0, window_bounds = array<i64: 4, 8, 8, 1024>}, {pipeline_mode = #tpu.pipeline_mode<synchronous>, transform_indices = @transform_1, window_bounds = array<i64: 4, 1, 32>}, {pipeline_mode = #tpu.pipeline_mode<synchronous>, transform_indices = @transform_2, window_bounds = array<i64: 4, 1, 32>}, {pipeline_mode = #tpu.pipeline_mode<synchronous>, transform_indices = @transform_3, window_bounds = array<i64: 4, 1, 32>}]} {
    %get3A = arith.constant 0 : index
    %get3A_0 = arith.constant 0 : index
    %get3A_1 = arith.constant 0 : index
    %get3A_2 = arith.constant 0 : index
    %get3A_3 = vector.load %arg1[%get3A, %get3A_0, %get3A_1, %get3A_2] : memref<4x8x8x1024xf32, #tpu.memory_space<vmem>>, vector<4x8x8x1024xf32>
    %abs3A = math.absf %get3A_3 : vector<4x8x8x1024xf32>
    %reduce_max3A = arith.constant dense<0xFF800000> : vector<4x8x1024xf32>
    %reduce_max3A_4 = vector.multi_reduction <maximumf>, %abs3A, %reduce_max3A [1] : vector<4x8x8x1024xf32> to vector<4x8x1024xf32>
    %iota3A = tpu.iota {dimensions = array<i32: 1>} : vector<4x8x1024xi32>
    %mul3A = arith.constant 1024 : i32
    %mul3A_5 = vector.broadcast %mul3A : i32 to vector<4x8x1024xi32>
    %mul3A_6 = arith.muli %iota3A, %mul3A_5 : vector<4x8x1024xi32>
    %iota3A_7 = tpu.iota {dimensions = array<i32: 2>} : vector<4x8x1024xi32>
    %add3A = arith.addi %mul3A_6, %iota3A_7 : vector<4x8x1024xi32>
    %gt3A = arith.constant 2.000000e+00 : f32
    %gt3A_8 = vector.broadcast %gt3A : f32 to vector<4x8x1024xf32>
    %gt3A_9 = arith.cmpf ogt, %reduce_max3A_4, %gt3A_8 : vector<4x8x1024xf32>
    %convert_element_type3A = arith.extui %gt3A_9 : vector<4x8x1024xi1> to vector<4x8x1024xi32>
    %reduce_sum3A = arith.constant dense<0> : vector<4x8xi32>
    %reduce_sum3A_10 = vector.multi_reduction <add>, %convert_element_type3A, %reduce_sum3A [2] : vector<4x8x1024xi32> to vector<4x8xi32>
    %broadcast_in_dim3A = vector.shape_cast %reduce_sum3A_10 : vector<4x8xi32> to vector<4x8x1xi32>
    %reduce_sum3A_11 = arith.constant dense<0> : vector<4x1xi32>
    %reduce_sum3A_12 = vector.multi_reduction <add>, %broadcast_in_dim3A, %reduce_sum3A_11 [1] : vector<4x8x1xi32> to vector<4x1xi32>
    %broadcast_in_dim3A_13 = vector.shape_cast %reduce_sum3A_12 : vector<4x1xi32> to vector<4x1x1xi32>
    %lt3A = arith.constant 4 : i32
    %lt3A_14 = vector.broadcast %lt3A : i32 to vector<4x1x1xi32>
    %lt3A_15 = arith.cmpi slt, %broadcast_in_dim3A_13, %lt3A_14 : vector<4x1x1xi32>
    %min3A = arith.constant 32 : i32
    %min3A_16 = vector.broadcast %min3A : i32 to vector<4x1x1xi32>
    %min3A_17 = arith.minsi %broadcast_in_dim3A_13, %min3A_16 : vector<4x1x1xi32>
    %jit3A = arith.constant 32 : i32
    %broadcast_in_dim3A_18 = vector.broadcast %jit3A : i32 to vector<4x1x1xi32>
    %select_n3A = arith.select %lt3A_15, %broadcast_in_dim3A_18, %min3A_17 : vector<4x1x1xi1>, vector<4x1x1xi32>
    %iota3A_19 = tpu.iota {dimensions = array<i32: 2>} : vector<4x1x32xi32>
    %broadcast_in_dim3A_20 = arith.constant 0 : i32
    %broadcast_in_dim3A_21 = vector.broadcast %broadcast_in_dim3A_20 : i32 to vector<4x1x32xi32>
    %scan3A = arith.constant 0 : i32
    %scan3A_22 = arith.constant 32 : i32
    %scan3A_23 = arith.addi %scan3A, %scan3A_22 : i32
    %scan3A_24 = arith.constant 1 : i32
    %scan3A_25:2 = scf.for %scan3A_220 = %scan3A to %scan3A_23 step %scan3A_24 iter_args(%scan3A_221 = %reduce_max3A_4, %scan3A_222 = %broadcast_in_dim3A_21) -> (vector<4x8x1024xf32>, vector<4x1x32xi32>)  : i32 {
      %reduce_max3A_223 = arith.constant dense<0xFF800000> : vector<4x8xf32>
      %reduce_max3A_224 = vector.multi_reduction <maximumf>, %scan3A_221, %reduce_max3A_223 [2] : vector<4x8x1024xf32> to vector<4x8xf32>
      %broadcast_in_dim3A_225 = vector.shape_cast %reduce_max3A_224 : vector<4x8xf32> to vector<4x8x1xf32>
      %reduce_max3A_226 = arith.constant dense<0xFF800000> : vector<4x1xf32>
      %reduce_max3A_227 = vector.multi_reduction <maximumf>, %broadcast_in_dim3A_225, %reduce_max3A_226 [1] : vector<4x8x1xf32> to vector<4x1xf32>
      %broadcast_in_dim3A_228 = vector.shape_cast %reduce_max3A_227 : vector<4x1xf32> to vector<4x1x1xf32>
      %broadcast_in_dim3A_229 = vector.shape_cast %broadcast_in_dim3A_228 : vector<4x1x1xf32> to vector<4x1x1xf32>
      %broadcast_in_dim3A_230 = vector.broadcast %broadcast_in_dim3A_229 : vector<4x1x1xf32> to vector<4x8x1024xf32>
      %eq3A_231 = arith.cmpf oeq, %scan3A_221, %broadcast_in_dim3A_230 : vector<4x8x1024xf32>
      %jit3A_232 = arith.constant 8192 : i32
      %broadcast_in_dim3A_233 = vector.broadcast %jit3A_232 : i32 to vector<4x8x1024xi32>
      %select_n3A_234 = arith.select %eq3A_231, %add3A, %broadcast_in_dim3A_233 : vector<4x8x1024xi1>, vector<4x8x1024xi32>
      %reduce_min3A = arith.constant dense<2147483647> : vector<4x8xi32>
      %reduce_min3A_235 = vector.multi_reduction <minsi>, %select_n3A_234, %reduce_min3A [2] : vector<4x8x1024xi32> to vector<4x8xi32>
      %broadcast_in_dim3A_236 = vector.shape_cast %reduce_min3A_235 : vector<4x8xi32> to vector<4x8x1xi32>
      %reduce_min3A_237 = arith.constant dense<2147483647> : vector<4x1xi32>
      %reduce_min3A_238 = vector.multi_reduction <minsi>, %broadcast_in_dim3A_236, %reduce_min3A_237 [1] : vector<4x8x1xi32> to vector<4x1xi32>
      %broadcast_in_dim3A_239 = vector.shape_cast %reduce_min3A_238 : vector<4x1xi32> to vector<4x1x1xi32>
      %eq3A_240 = vector.broadcast %scan3A_220 : i32 to vector<4x1x32xi32>
      %eq3A_241 = arith.cmpi eq, %iota3A_19, %eq3A_240 : vector<4x1x32xi32>
      %broadcast_in_dim3A_242 = vector.shape_cast %broadcast_in_dim3A_239 : vector<4x1x1xi32> to vector<4x1x1xi32>
      %broadcast_in_dim3A_243 = vector.broadcast %broadcast_in_dim3A_242 : vector<4x1x1xi32> to vector<4x1x32xi32>
      %select_n3A_244 = arith.select %eq3A_241, %broadcast_in_dim3A_243, %scan3A_222 : vector<4x1x32xi1>, vector<4x1x32xi32>
      %broadcast_in_dim3A_245 = vector.shape_cast %broadcast_in_dim3A_239 : vector<4x1x1xi32> to vector<4x1x1xi32>
      %broadcast_in_dim3A_246 = vector.broadcast %broadcast_in_dim3A_245 : vector<4x1x1xi32> to vector<4x8x1024xi32>
      %eq3A_247 = arith.cmpi eq, %add3A, %broadcast_in_dim3A_246 : vector<4x8x1024xi32>
      %jit3A_248 = arith.constant -1.000000e+00 : f32
      %broadcast_in_dim3A_249 = vector.broadcast %jit3A_248 : f32 to vector<4x8x1024xf32>
      %select_n3A_250 = arith.select %eq3A_247, %broadcast_in_dim3A_249, %scan3A_221 : vector<4x8x1024xi1>, vector<4x8x1024xf32>
      scf.yield %select_n3A_250, %select_n3A_244 : vector<4x8x1024xf32>, vector<4x1x32xi32>
    }
    %scan3A_26 = arith.constant 32 : i32
    %iota3A_27 = tpu.iota {dimensions = array<i32: 0>} : vector<32x32xi32>
    %iota3A_28 = tpu.iota {dimensions = array<i32: 1>} : vector<32x32xi32>
    %eq3A = arith.cmpi eq, %iota3A_27, %iota3A_28 : vector<32x32xi32>
    %convert_element_type3A_29 = arith.extui %eq3A : vector<32x32xi1> to vector<32x32xi32>
    %convert_element_type3A_30 = arith.sitofp %convert_element_type3A_29 : vector<32x32xi32> to vector<32x32xf32>
    %iota3A_31 = tpu.iota {dimensions = array<i32: 1>} : vector<1x32xi32>
    %slice3A = vector.extract_strided_slice %scan3A_25#1 {offsets = [0, 0, 0], sizes = [1, 1, 32], strides = [1, 1, 1]} : vector<4x1x32xi32> to vector<1x1x32xi32>
    %squeeze3A = vector.shape_cast %slice3A : vector<1x1x32xi32> to vector<1x32xi32>
    %slice3A_32 = vector.extract_strided_slice %select_n3A {offsets = [0, 0, 0], sizes = [1, 1, 1], strides = [1, 1, 1]} : vector<4x1x1xi32> to vector<1x1x1xi32>
    %squeeze3A_33 = vector.shape_cast %slice3A_32 : vector<1x1x1xi32> to vector<1x1xi32>
    %broadcast_in_dim3A_34 = vector.shape_cast %squeeze3A_33 : vector<1x1xi32> to vector<1x1xi32>
    %broadcast_in_dim3A_35 = vector.broadcast %broadcast_in_dim3A_34 : vector<1x1xi32> to vector<1x32xi32>
    %lt3A_36 = arith.cmpi slt, %iota3A_31, %broadcast_in_dim3A_35 : vector<1x32xi32>
    %jit3A_37 = arith.constant 8192 : i32
    %broadcast_in_dim3A_38 = vector.broadcast %jit3A_37 : i32 to vector<1x32xi32>
    %select_n3A_39 = arith.select %lt3A_36, %squeeze3A, %broadcast_in_dim3A_38 : vector<1x32xi1>, vector<1x32xi32>
    %convert_element_type3A_40 = arith.sitofp %select_n3A_39 : vector<1x32xi32> to vector<1x32xf32>
    %broadcast_in_dim3A_41 = vector.shape_cast %convert_element_type3A_40 : vector<1x32xf32> to vector<1x32xf32>
    %broadcast_in_dim3A_42 = vector.broadcast %broadcast_in_dim3A_41 : vector<1x32xf32> to vector<32x32xf32>
    %dot_general3A = arith.constant dense<0.000000e+00> : vector<32x32xf32>
    %dot_general3A_43 = tpu.matmul %broadcast_in_dim3A_42, %convert_element_type3A_30, %dot_general3A {dimension_numbers = #tpu.dot_dimension_numbers<[0], [0], [1], [1], [0, 1, 1, 1], [], []>, precision = #tpu.contract_precision<fp32>, transpose_lhs_hint = false} : vector<32x32xf32>, vector<32x32xf32>, vector<32x32xf32> -> vector<32x32xf32>
    %lt3A_44 = arith.cmpf olt, %dot_general3A_43, %broadcast_in_dim3A_42 : vector<32x32xf32>
    %convert_element_type3A_45 = arith.extui %lt3A_44 : vector<32x32xi1> to vector<32x32xi32>
    %convert_element_type3A_46 = arith.sitofp %convert_element_type3A_45 : vector<32x32xi32> to vector<32x32xf32>
    %reduce_sum3A_47 = arith.constant dense<0.000000e+00> : vector<32xf32>
    %reduce_sum3A_48 = vector.multi_reduction <add>, %convert_element_type3A_46, %reduce_sum3A_47 [0] : vector<32x32xf32> to vector<32xf32>
    %broadcast_in_dim3A_49 = vector.shape_cast %reduce_sum3A_48 : vector<32xf32> to vector<1x32xf32>
    %broadcast_in_dim3A_50 = vector.shape_cast %broadcast_in_dim3A_49 : vector<1x32xf32> to vector<1x32xf32>
    %broadcast_in_dim3A_51 = vector.broadcast %broadcast_in_dim3A_50 : vector<1x32xf32> to vector<32x32xf32>
    %dot_general3A_52 = arith.constant dense<0.000000e+00> : vector<32x32xf32>
    %dot_general3A_53 = tpu.matmul %broadcast_in_dim3A_51, %convert_element_type3A_30, %dot_general3A_52 {dimension_numbers = #tpu.dot_dimension_numbers<[0], [0], [1], [1], [0, 1, 1, 1], [], []>, precision = #tpu.contract_precision<fp32>, transpose_lhs_hint = false} : vector<32x32xf32>, vector<32x32xf32>, vector<32x32xf32> -> vector<32x32xf32>
    %convert_element_type3A_54 = arith.fptosi %dot_general3A_53 : vector<32x32xf32> to vector<32x32xi32>
    %iota3A_55 = tpu.iota {dimensions = array<i32: 1>} : vector<32x32xi32>
    %eq3A_56 = arith.cmpi eq, %convert_element_type3A_54, %iota3A_55 : vector<32x32xi32>
    %iota3A_57 = tpu.iota {dimensions = array<i32: 0>} : vector<32x32xi32>
    %broadcast_in_dim3A_58 = vector.shape_cast %squeeze3A_33 : vector<1x1xi32> to vector<1x1xi32>
    %broadcast_in_dim3A_59 = vector.broadcast %broadcast_in_dim3A_58 : vector<1x1xi32> to vector<32x32xi32>
    %lt3A_60 = arith.cmpi slt, %iota3A_57, %broadcast_in_dim3A_59 : vector<32x32xi32>
    %and3A = arith.andi %eq3A_56, %lt3A_60 : vector<32x32xi1>
    %convert_element_type3A_61 = arith.extui %and3A : vector<32x32xi1> to vector<32x32xi32>
    %convert_element_type3A_62 = arith.sitofp %convert_element_type3A_61 : vector<32x32xi32> to vector<32x32xf32>
    %convert_element_type3A_63 = arith.sitofp %squeeze3A : vector<1x32xi32> to vector<1x32xf32>
    %dot_general3A_64 = arith.constant dense<0.000000e+00> : vector<1x32xf32>
    %dot_general3A_65 = tpu.matmul %convert_element_type3A_63, %convert_element_type3A_62, %dot_general3A_64 {dimension_numbers = #tpu.dot_dimension_numbers<[1], [0], [0], [1], [0, 0, 1, 1], [], []>, precision = #tpu.contract_precision<fp32>, transpose_lhs_hint = false} : vector<1x32xf32>, vector<32x32xf32>, vector<1x32xf32> -> vector<1x32xf32>
    %convert_element_type3A_66 = arith.fptosi %dot_general3A_65 : vector<1x32xf32> to vector<1x32xi32>
    %convert_element_type3A_67 = arith.extui %lt3A_36 : vector<1x32xi1> to vector<1x32xi32>
    %slice3A_68 = vector.extract_strided_slice %scan3A_25#1 {offsets = [1, 0, 0], sizes = [1, 1, 32], strides = [1, 1, 1]} : vector<4x1x32xi32> to vector<1x1x32xi32>
    %squeeze3A_69 = vector.shape_cast %slice3A_68 : vector<1x1x32xi32> to vector<1x32xi32>
    %slice3A_70 = vector.extract_strided_slice %select_n3A {offsets = [1, 0, 0], sizes = [1, 1, 1], strides = [1, 1, 1]} : vector<4x1x1xi32> to vector<1x1x1xi32>
    %squeeze3A_71 = vector.shape_cast %slice3A_70 : vector<1x1x1xi32> to vector<1x1xi32>
    %broadcast_in_dim3A_72 = vector.shape_cast %squeeze3A_71 : vector<1x1xi32> to vector<1x1xi32>
    %broadcast_in_dim3A_73 = vector.broadcast %broadcast_in_dim3A_72 : vector<1x1xi32> to vector<1x32xi32>
    %lt3A_74 = arith.cmpi slt, %iota3A_31, %broadcast_in_dim3A_73 : vector<1x32xi32>
    %jit3A_75 = arith.constant 8192 : i32
    %broadcast_in_dim3A_76 = vector.broadcast %jit3A_75 : i32 to vector<1x32xi32>
    %select_n3A_77 = arith.select %lt3A_74, %squeeze3A_69, %broadcast_in_dim3A_76 : vector<1x32xi1>, vector<1x32xi32>
    %convert_element_type3A_78 = arith.sitofp %select_n3A_77 : vector<1x32xi32> to vector<1x32xf32>
    %broadcast_in_dim3A_79 = vector.shape_cast %convert_element_type3A_78 : vector<1x32xf32> to vector<1x32xf32>
    %broadcast_in_dim3A_80 = vector.broadcast %broadcast_in_dim3A_79 : vector<1x32xf32> to vector<32x32xf32>
    %dot_general3A_81 = arith.constant dense<0.000000e+00> : vector<32x32xf32>
    %dot_general3A_82 = tpu.matmul %broadcast_in_dim3A_80, %convert_element_type3A_30, %dot_general3A_81 {dimension_numbers = #tpu.dot_dimension_numbers<[0], [0], [1], [1], [0, 1, 1, 1], [], []>, precision = #tpu.contract_precision<fp32>, transpose_lhs_hint = false} : vector<32x32xf32>, vector<32x32xf32>, vector<32x32xf32> -> vector<32x32xf32>
    %lt3A_83 = arith.cmpf olt, %dot_general3A_82, %broadcast_in_dim3A_80 : vector<32x32xf32>
    %convert_element_type3A_84 = arith.extui %lt3A_83 : vector<32x32xi1> to vector<32x32xi32>
    %convert_element_type3A_85 = arith.sitofp %convert_element_type3A_84 : vector<32x32xi32> to vector<32x32xf32>
    %reduce_sum3A_86 = arith.constant dense<0.000000e+00> : vector<32xf32>
    %reduce_sum3A_87 = vector.multi_reduction <add>, %convert_element_type3A_85, %reduce_sum3A_86 [0] : vector<32x32xf32> to vector<32xf32>
    %broadcast_in_dim3A_88 = vector.shape_cast %reduce_sum3A_87 : vector<32xf32> to vector<1x32xf32>
    %broadcast_in_dim3A_89 = vector.shape_cast %broadcast_in_dim3A_88 : vector<1x32xf32> to vector<1x32xf32>
    %broadcast_in_dim3A_90 = vector.broadcast %broadcast_in_dim3A_89 : vector<1x32xf32> to vector<32x32xf32>
    %dot_general3A_91 = arith.constant dense<0.000000e+00> : vector<32x32xf32>
    %dot_general3A_92 = tpu.matmul %broadcast_in_dim3A_90, %convert_element_type3A_30, %dot_general3A_91 {dimension_numbers = #tpu.dot_dimension_numbers<[0], [0], [1], [1], [0, 1, 1, 1], [], []>, precision = #tpu.contract_precision<fp32>, transpose_lhs_hint = false} : vector<32x32xf32>, vector<32x32xf32>, vector<32x32xf32> -> vector<32x32xf32>
    %convert_element_type3A_93 = arith.fptosi %dot_general3A_92 : vector<32x32xf32> to vector<32x32xi32>
    %iota3A_94 = tpu.iota {dimensions = array<i32: 1>} : vector<32x32xi32>
    %eq3A_95 = arith.cmpi eq, %convert_element_type3A_93, %iota3A_94 : vector<32x32xi32>
    %iota3A_96 = tpu.iota {dimensions = array<i32: 0>} : vector<32x32xi32>
    %broadcast_in_dim3A_97 = vector.shape_cast %squeeze3A_71 : vector<1x1xi32> to vector<1x1xi32>
    %broadcast_in_dim3A_98 = vector.broadcast %broadcast_in_dim3A_97 : vector<1x1xi32> to vector<32x32xi32>
    %lt3A_99 = arith.cmpi slt, %iota3A_96, %broadcast_in_dim3A_98 : vector<32x32xi32>
    %and3A_100 = arith.andi %eq3A_95, %lt3A_99 : vector<32x32xi1>
    %convert_element_type3A_101 = arith.extui %and3A_100 : vector<32x32xi1> to vector<32x32xi32>
    %convert_element_type3A_102 = arith.sitofp %convert_element_type3A_101 : vector<32x32xi32> to vector<32x32xf32>
    %convert_element_type3A_103 = arith.sitofp %squeeze3A_69 : vector<1x32xi32> to vector<1x32xf32>
    %dot_general3A_104 = arith.constant dense<0.000000e+00> : vector<1x32xf32>
    %dot_general3A_105 = tpu.matmul %convert_element_type3A_103, %convert_element_type3A_102, %dot_general3A_104 {dimension_numbers = #tpu.dot_dimension_numbers<[1], [0], [0], [1], [0, 0, 1, 1], [], []>, precision = #tpu.contract_precision<fp32>, transpose_lhs_hint = false} : vector<1x32xf32>, vector<32x32xf32>, vector<1x32xf32> -> vector<1x32xf32>
    %convert_element_type3A_106 = arith.fptosi %dot_general3A_105 : vector<1x32xf32> to vector<1x32xi32>
    %convert_element_type3A_107 = arith.extui %lt3A_74 : vector<1x32xi1> to vector<1x32xi32>
    %slice3A_108 = vector.extract_strided_slice %scan3A_25#1 {offsets = [2, 0, 0], sizes = [1, 1, 32], strides = [1, 1, 1]} : vector<4x1x32xi32> to vector<1x1x32xi32>
    %squeeze3A_109 = vector.shape_cast %slice3A_108 : vector<1x1x32xi32> to vector<1x32xi32>
    %slice3A_110 = vector.extract_strided_slice %select_n3A {offsets = [2, 0, 0], sizes = [1, 1, 1], strides = [1, 1, 1]} : vector<4x1x1xi32> to vector<1x1x1xi32>
    %squeeze3A_111 = vector.shape_cast %slice3A_110 : vector<1x1x1xi32> to vector<1x1xi32>
    %broadcast_in_dim3A_112 = vector.shape_cast %squeeze3A_111 : vector<1x1xi32> to vector<1x1xi32>
    %broadcast_in_dim3A_113 = vector.broadcast %broadcast_in_dim3A_112 : vector<1x1xi32> to vector<1x32xi32>
    %lt3A_114 = arith.cmpi slt, %iota3A_31, %broadcast_in_dim3A_113 : vector<1x32xi32>
    %jit3A_115 = arith.constant 8192 : i32
    %broadcast_in_dim3A_116 = vector.broadcast %jit3A_115 : i32 to vector<1x32xi32>
    %select_n3A_117 = arith.select %lt3A_114, %squeeze3A_109, %broadcast_in_dim3A_116 : vector<1x32xi1>, vector<1x32xi32>
    %convert_element_type3A_118 = arith.sitofp %select_n3A_117 : vector<1x32xi32> to vector<1x32xf32>
    %broadcast_in_dim3A_119 = vector.shape_cast %convert_element_type3A_118 : vector<1x32xf32> to vector<1x32xf32>
    %broadcast_in_dim3A_120 = vector.broadcast %broadcast_in_dim3A_119 : vector<1x32xf32> to vector<32x32xf32>
    %dot_general3A_121 = arith.constant dense<0.000000e+00> : vector<32x32xf32>
    %dot_general3A_122 = tpu.matmul %broadcast_in_dim3A_120, %convert_element_type3A_30, %dot_general3A_121 {dimension_numbers = #tpu.dot_dimension_numbers<[0], [0], [1], [1], [0, 1, 1, 1], [], []>, precision = #tpu.contract_precision<fp32>, transpose_lhs_hint = false} : vector<32x32xf32>, vector<32x32xf32>, vector<32x32xf32> -> vector<32x32xf32>
    %lt3A_123 = arith.cmpf olt, %dot_general3A_122, %broadcast_in_dim3A_120 : vector<32x32xf32>
    %convert_element_type3A_124 = arith.extui %lt3A_123 : vector<32x32xi1> to vector<32x32xi32>
    %convert_element_type3A_125 = arith.sitofp %convert_element_type3A_124 : vector<32x32xi32> to vector<32x32xf32>
    %reduce_sum3A_126 = arith.constant dense<0.000000e+00> : vector<32xf32>
    %reduce_sum3A_127 = vector.multi_reduction <add>, %convert_element_type3A_125, %reduce_sum3A_126 [0] : vector<32x32xf32> to vector<32xf32>
    %broadcast_in_dim3A_128 = vector.shape_cast %reduce_sum3A_127 : vector<32xf32> to vector<1x32xf32>
    %broadcast_in_dim3A_129 = vector.shape_cast %broadcast_in_dim3A_128 : vector<1x32xf32> to vector<1x32xf32>
    %broadcast_in_dim3A_130 = vector.broadcast %broadcast_in_dim3A_129 : vector<1x32xf32> to vector<32x32xf32>
    %dot_general3A_131 = arith.constant dense<0.000000e+00> : vector<32x32xf32>
    %dot_general3A_132 = tpu.matmul %broadcast_in_dim3A_130, %convert_element_type3A_30, %dot_general3A_131 {dimension_numbers = #tpu.dot_dimension_numbers<[0], [0], [1], [1], [0, 1, 1, 1], [], []>, precision = #tpu.contract_precision<fp32>, transpose_lhs_hint = false} : vector<32x32xf32>, vector<32x32xf32>, vector<32x32xf32> -> vector<32x32xf32>
    %convert_element_type3A_133 = arith.fptosi %dot_general3A_132 : vector<32x32xf32> to vector<32x32xi32>
    %iota3A_134 = tpu.iota {dimensions = array<i32: 1>} : vector<32x32xi32>
    %eq3A_135 = arith.cmpi eq, %convert_element_type3A_133, %iota3A_134 : vector<32x32xi32>
    %iota3A_136 = tpu.iota {dimensions = array<i32: 0>} : vector<32x32xi32>
    %broadcast_in_dim3A_137 = vector.shape_cast %squeeze3A_111 : vector<1x1xi32> to vector<1x1xi32>
    %broadcast_in_dim3A_138 = vector.broadcast %broadcast_in_dim3A_137 : vector<1x1xi32> to vector<32x32xi32>
    %lt3A_139 = arith.cmpi slt, %iota3A_136, %broadcast_in_dim3A_138 : vector<32x32xi32>
    %and3A_140 = arith.andi %eq3A_135, %lt3A_139 : vector<32x32xi1>
    %convert_element_type3A_141 = arith.extui %and3A_140 : vector<32x32xi1> to vector<32x32xi32>
    %convert_element_type3A_142 = arith.sitofp %convert_element_type3A_141 : vector<32x32xi32> to vector<32x32xf32>
    %convert_element_type3A_143 = arith.sitofp %squeeze3A_109 : vector<1x32xi32> to vector<1x32xf32>
    %dot_general3A_144 = arith.constant dense<0.000000e+00> : vector<1x32xf32>
    %dot_general3A_145 = tpu.matmul %convert_element_type3A_143, %convert_element_type3A_142, %dot_general3A_144 {dimension_numbers = #tpu.dot_dimension_numbers<[1], [0], [0], [1], [0, 0, 1, 1], [], []>, precision = #tpu.contract_precision<fp32>, transpose_lhs_hint = false} : vector<1x32xf32>, vector<32x32xf32>, vector<1x32xf32> -> vector<1x32xf32>
    %convert_element_type3A_146 = arith.fptosi %dot_general3A_145 : vector<1x32xf32> to vector<1x32xi32>
    %convert_element_type3A_147 = arith.extui %lt3A_114 : vector<1x32xi1> to vector<1x32xi32>
    %slice3A_148 = vector.extract_strided_slice %scan3A_25#1 {offsets = [3, 0, 0], sizes = [1, 1, 32], strides = [1, 1, 1]} : vector<4x1x32xi32> to vector<1x1x32xi32>
    %squeeze3A_149 = vector.shape_cast %slice3A_148 : vector<1x1x32xi32> to vector<1x32xi32>
    %slice3A_150 = vector.extract_strided_slice %select_n3A {offsets = [3, 0, 0], sizes = [1, 1, 1], strides = [1, 1, 1]} : vector<4x1x1xi32> to vector<1x1x1xi32>
    %squeeze3A_151 = vector.shape_cast %slice3A_150 : vector<1x1x1xi32> to vector<1x1xi32>
    %broadcast_in_dim3A_152 = vector.shape_cast %squeeze3A_151 : vector<1x1xi32> to vector<1x1xi32>
    %broadcast_in_dim3A_153 = vector.broadcast %broadcast_in_dim3A_152 : vector<1x1xi32> to vector<1x32xi32>
    %lt3A_154 = arith.cmpi slt, %iota3A_31, %broadcast_in_dim3A_153 : vector<1x32xi32>
    %jit3A_155 = arith.constant 8192 : i32
    %broadcast_in_dim3A_156 = vector.broadcast %jit3A_155 : i32 to vector<1x32xi32>
    %select_n3A_157 = arith.select %lt3A_154, %squeeze3A_149, %broadcast_in_dim3A_156 : vector<1x32xi1>, vector<1x32xi32>
    %convert_element_type3A_158 = arith.sitofp %select_n3A_157 : vector<1x32xi32> to vector<1x32xf32>
    %broadcast_in_dim3A_159 = vector.shape_cast %convert_element_type3A_158 : vector<1x32xf32> to vector<1x32xf32>
    %broadcast_in_dim3A_160 = vector.broadcast %broadcast_in_dim3A_159 : vector<1x32xf32> to vector<32x32xf32>
    %dot_general3A_161 = arith.constant dense<0.000000e+00> : vector<32x32xf32>
    %dot_general3A_162 = tpu.matmul %broadcast_in_dim3A_160, %convert_element_type3A_30, %dot_general3A_161 {dimension_numbers = #tpu.dot_dimension_numbers<[0], [0], [1], [1], [0, 1, 1, 1], [], []>, precision = #tpu.contract_precision<fp32>, transpose_lhs_hint = false} : vector<32x32xf32>, vector<32x32xf32>, vector<32x32xf32> -> vector<32x32xf32>
    %lt3A_163 = arith.cmpf olt, %dot_general3A_162, %broadcast_in_dim3A_160 : vector<32x32xf32>
    %convert_element_type3A_164 = arith.extui %lt3A_163 : vector<32x32xi1> to vector<32x32xi32>
    %convert_element_type3A_165 = arith.sitofp %convert_element_type3A_164 : vector<32x32xi32> to vector<32x32xf32>
    %reduce_sum3A_166 = arith.constant dense<0.000000e+00> : vector<32xf32>
    %reduce_sum3A_167 = vector.multi_reduction <add>, %convert_element_type3A_165, %reduce_sum3A_166 [0] : vector<32x32xf32> to vector<32xf32>
    %broadcast_in_dim3A_168 = vector.shape_cast %reduce_sum3A_167 : vector<32xf32> to vector<1x32xf32>
    %broadcast_in_dim3A_169 = vector.shape_cast %broadcast_in_dim3A_168 : vector<1x32xf32> to vector<1x32xf32>
    %broadcast_in_dim3A_170 = vector.broadcast %broadcast_in_dim3A_169 : vector<1x32xf32> to vector<32x32xf32>
    %dot_general3A_171 = arith.constant dense<0.000000e+00> : vector<32x32xf32>
    %dot_general3A_172 = tpu.matmul %broadcast_in_dim3A_170, %convert_element_type3A_30, %dot_general3A_171 {dimension_numbers = #tpu.dot_dimension_numbers<[0], [0], [1], [1], [0, 1, 1, 1], [], []>, precision = #tpu.contract_precision<fp32>, transpose_lhs_hint = false} : vector<32x32xf32>, vector<32x32xf32>, vector<32x32xf32> -> vector<32x32xf32>
    %convert_element_type3A_173 = arith.fptosi %dot_general3A_172 : vector<32x32xf32> to vector<32x32xi32>
    %iota3A_174 = tpu.iota {dimensions = array<i32: 1>} : vector<32x32xi32>
    %eq3A_175 = arith.cmpi eq, %convert_element_type3A_173, %iota3A_174 : vector<32x32xi32>
    %iota3A_176 = tpu.iota {dimensions = array<i32: 0>} : vector<32x32xi32>
    %broadcast_in_dim3A_177 = vector.shape_cast %squeeze3A_151 : vector<1x1xi32> to vector<1x1xi32>
    %broadcast_in_dim3A_178 = vector.broadcast %broadcast_in_dim3A_177 : vector<1x1xi32> to vector<32x32xi32>
    %lt3A_179 = arith.cmpi slt, %iota3A_176, %broadcast_in_dim3A_178 : vector<32x32xi32>
    %and3A_180 = arith.andi %eq3A_175, %lt3A_179 : vector<32x32xi1>
    %convert_element_type3A_181 = arith.extui %and3A_180 : vector<32x32xi1> to vector<32x32xi32>
    %convert_element_type3A_182 = arith.sitofp %convert_element_type3A_181 : vector<32x32xi32> to vector<32x32xf32>
    %convert_element_type3A_183 = arith.sitofp %squeeze3A_149 : vector<1x32xi32> to vector<1x32xf32>
    %dot_general3A_184 = arith.constant dense<0.000000e+00> : vector<1x32xf32>
    %dot_general3A_185 = tpu.matmul %convert_element_type3A_183, %convert_element_type3A_182, %dot_general3A_184 {dimension_numbers = #tpu.dot_dimension_numbers<[1], [0], [0], [1], [0, 0, 1, 1], [], []>, precision = #tpu.contract_precision<fp32>, transpose_lhs_hint = false} : vector<1x32xf32>, vector<32x32xf32>, vector<1x32xf32> -> vector<1x32xf32>
    %convert_element_type3A_186 = arith.fptosi %dot_general3A_185 : vector<1x32xf32> to vector<1x32xi32>
    %convert_element_type3A_187 = arith.extui %lt3A_154 : vector<1x32xi1> to vector<1x32xi32>
    %concatenate3A = tpu.concatenate %convert_element_type3A_66, %convert_element_type3A_106, %convert_element_type3A_146, %convert_element_type3A_186 in 0 : vector<1x32xi32>, vector<1x32xi32>, vector<1x32xi32>, vector<1x32xi32> -> vector<4x32xi32>
    %concatenate3A_188 = tpu.concatenate %convert_element_type3A_67, %convert_element_type3A_107, %convert_element_type3A_147, %convert_element_type3A_187 in 0 : vector<1x32xi32>, vector<1x32xi32>, vector<1x32xi32>, vector<1x32xi32> -> vector<4x32xi32>
    %slice3A_189 = vector.extract_strided_slice %select_n3A {offsets = [0, 0, 0], sizes = [1, 1, 1], strides = [1, 1, 1]} : vector<4x1x1xi32> to vector<1x1x1xi32>
    %squeeze3A_190 = vector.shape_cast %slice3A_189 : vector<1x1x1xi32> to vector<1x1xi32>
    %broadcast_in_dim3A_191 = vector.shape_cast %squeeze3A_190 : vector<1x1xi32> to vector<1x1xi32>
    %broadcast_in_dim3A_192 = vector.broadcast %broadcast_in_dim3A_191 : vector<1x1xi32> to vector<1x32xi32>
    %slice3A_193 = vector.extract_strided_slice %select_n3A {offsets = [1, 0, 0], sizes = [1, 1, 1], strides = [1, 1, 1]} : vector<4x1x1xi32> to vector<1x1x1xi32>
    %squeeze3A_194 = vector.shape_cast %slice3A_193 : vector<1x1x1xi32> to vector<1x1xi32>
    %broadcast_in_dim3A_195 = vector.shape_cast %squeeze3A_194 : vector<1x1xi32> to vector<1x1xi32>
    %broadcast_in_dim3A_196 = vector.broadcast %broadcast_in_dim3A_195 : vector<1x1xi32> to vector<1x32xi32>
    %slice3A_197 = vector.extract_strided_slice %select_n3A {offsets = [2, 0, 0], sizes = [1, 1, 1], strides = [1, 1, 1]} : vector<4x1x1xi32> to vector<1x1x1xi32>
    %squeeze3A_198 = vector.shape_cast %slice3A_197 : vector<1x1x1xi32> to vector<1x1xi32>
    %broadcast_in_dim3A_199 = vector.shape_cast %squeeze3A_198 : vector<1x1xi32> to vector<1x1xi32>
    %broadcast_in_dim3A_200 = vector.broadcast %broadcast_in_dim3A_199 : vector<1x1xi32> to vector<1x32xi32>
    %slice3A_201 = vector.extract_strided_slice %select_n3A {offsets = [3, 0, 0], sizes = [1, 1, 1], strides = [1, 1, 1]} : vector<4x1x1xi32> to vector<1x1x1xi32>
    %squeeze3A_202 = vector.shape_cast %slice3A_201 : vector<1x1x1xi32> to vector<1x1xi32>
    %broadcast_in_dim3A_203 = vector.shape_cast %squeeze3A_202 : vector<1x1xi32> to vector<1x1xi32>
    %broadcast_in_dim3A_204 = vector.broadcast %broadcast_in_dim3A_203 : vector<1x1xi32> to vector<1x32xi32>
    %concatenate3A_205 = tpu.concatenate %broadcast_in_dim3A_192, %broadcast_in_dim3A_196, %broadcast_in_dim3A_200, %broadcast_in_dim3A_204 in 0 : vector<1x32xi32>, vector<1x32xi32>, vector<1x32xi32>, vector<1x32xi32> -> vector<4x32xi32>
    %broadcast_in_dim3A_206 = vector.shape_cast %concatenate3A_188 : vector<4x32xi32> to vector<4x1x32xi32>
    %swap3A = arith.constant 0 : index
    %swap3A_207 = arith.constant 0 : index
    %swap3A_208 = arith.constant 0 : index
    %swap3A_209 = vector.load %arg2[%swap3A, %swap3A_207, %swap3A_208] : memref<4x1x32xi32, #tpu.memory_space<vmem>>, vector<4x1x32xi32>
    tpu.vector_store %arg2[%swap3A, %swap3A_207, %swap3A_208], %broadcast_in_dim3A_206 {strides = array<i32>} : memref<4x1x32xi32, #tpu.memory_space<vmem>>, vector<4x1x32xi32>,
    %broadcast_in_dim3A_210 = vector.shape_cast %concatenate3A : vector<4x32xi32> to vector<4x1x32xi32>
    %swap3A_211 = arith.constant 0 : index
    %swap3A_212 = arith.constant 0 : index
    %swap3A_213 = arith.constant 0 : index
    %swap3A_214 = vector.load %arg3[%swap3A_211, %swap3A_212, %swap3A_213] : memref<4x1x32xi32, #tpu.memory_space<vmem>>, vector<4x1x32xi32>
    tpu.vector_store %arg3[%swap3A_211, %swap3A_212, %swap3A_213], %broadcast_in_dim3A_210 {strides = array<i32>} : memref<4x1x32xi32, #tpu.memory_space<vmem>>, vector<4x1x32xi32>,
    %broadcast_in_dim3A_215 = vector.shape_cast %concatenate3A_205 : vector<4x32xi32> to vector<4x1x32xi32>
    %swap3A_216 = arith.constant 0 : index
    %swap3A_217 = arith.constant 0 : index
    %swap3A_218 = arith.constant 0 : index
    %swap3A_219 = vector.load %arg4[%swap3A_216, %swap3A_217, %swap3A_218] : memref<4x1x32xi32, #tpu.memory_space<vmem>>, vector<4x1x32xi32>
    tpu.vector_store %arg4[%swap3A_216, %swap3A_217, %swap3A_218], %broadcast_in_dim3A_215 {strides = array<i32>} : memref<4x1x32xi32, #tpu.memory_space<vmem>>, vector<4x1x32xi32>,
    return
  }
  func.func @transform_0(%arg0: i32) -> (i32, i32, i32, i32) {
    %c0_i32 = arith.constant 0 : i32
    %c0_i32_0 = arith.constant 0 : i32
    %c0_i32_1 = arith.constant 0 : i32
    %c0_i32_2 = arith.constant 0 : i32
    %c0_i32_3 = arith.constant 0 : i32
    return %c0_i32, %c0_i32_0, %c0_i32_1, %c0_i32_2 : i32, i32, i32, i32
  }
  func.func @transform_1(%arg0: i32) -> (i32, i32, i32) {
    %c0_i32 = arith.constant 0 : i32
    %c0_i32_0 = arith.constant 0 : i32
    %c0_i32_1 = arith.constant 0 : i32
    %c0_i32_2 = arith.constant 0 : i32
    return %c0_i32, %c0_i32_0, %c0_i32_1 : i32, i32, i32
  }
  func.func @transform_2(%arg0: i32) -> (i32, i32, i32) {
    %c0_i32 = arith.constant 0 : i32
    %c0_i32_0 = arith.constant 0 : i32
    %c0_i32_1 = arith.constant 0 : i32
    %c0_i32_2 = arith.constant 0 : i32
    return %c0_i32, %c0_i32_0, %c0_i32_1 : i32, i32, i32
  }
  func.func @transform_3(%arg0: i32) -> (i32, i32, i32) {
    %c0_i32 = arith.constant 0 : i32
    %c0_i32_0 = arith.constant 0 : i32
    %c0_i32_1 = arith.constant 0 : i32
    %c0_i32_2 = arith.constant 0 : i32
    return %c0_i32, %c0_i32_0, %c0_i32_1 : i32, i32, i32
  }
}

</mosaic_0001>

<sc_bundles>
// kernel: kernel.5.cloned.1.call-start
scs
__scs_entry_jumppad:
0x0: {  	(pc) =	sbr.rel $0x88, $3  }
0x1: {  	(tag) =	ssettag $0x0;
	lr =	simm.s32 $0x1  }
0x2: {  	[smem:$0x3F9C] =	sst lr;
	_ =	strace $0xD0000000  }
0x3: {  	_ = 	snop  }
0x4: {  	_ = 	snop  }
0x5: {  	_ = 	snop  }
0x6: {  	_ = 	snop  }
0x7: {  	_ = 	snop  }
__scs_overlays_trampoline_lowered:
0x8: {  	[smem:$0x3FAB] =	sst s0  }
0x9: {  	[smem:$0x3FAC] =	sst s1  }
0xa: {  	[smem:$0x3FAD] =	sst s2  }
0xb: {  	[smem:$0x3FAE] =	sst s3  }
0xc: {  	[smem:$0x3FAF] =	sst s4  }
0xd: {  	[smem:$0x3FB0] =	sst s5  }
0xe: {  	[smem:$0x3FB1] =	sst s6  }
0xf: {  	[smem:$0x3FB2] =	sst s7  }
0x10: {  	[smem:$0x3FB3] =	sst s8  }
0x11: {  	[smem:$0x3FB4] =	sst s9;
	s0 =	simm.s32 @!p0 $0x0  }
0x12: {  	s1 =	sld [smem:$0x3F9A];
	s0 =	simm.s32 @p0 $0x1  }
0x13: {  	[smem:$0x3FB5] =	sst s0;
	s0 =	simm.s32 @!p1 $0x0  }
0x14: {  	s2 =	sld [smem:$0x3F99];
	s0 =	simm.s32 @p1 $0x1  }
0x15: {  	[smem:$0x3FB6] =	sst s0;
	s0 =	simm.s32 @!p2 $0x0  }
0x16: {  	s3 =	sld [smem:$0x3FDB];
	s0 =	simm.s32 @p2 $0x1  }
0x17: {  	s4 =	simm.s32 $0x1BF5;
	[smem:$0x3FB8] =	sst s0  }
0x18: {  	s0 =	sld [smem:$0x3F9B];
	_ =	swait.ge [sflag:s4], $0x0  }
0x19: {  	s7 =	sld [smem:$0x3F9C]  }
0x1a: {  	s8 =	sadd.s32 $0xFFFFE003, lr  }
0x1b: {  	s9 =	sadd.s32 $0xFFFFFEF7, lr;
	s5 =	simm.s32 $0xFFFFFFFF;
	p2 =	slt.u32 s8, $0xFFFFF086  }
0x1c: {  	p1 =	slt.u32 s9, $0xF7A;
	s5 =	simm.s32 @!p2 $0x0  }
0x1d: {  	s5 =	simm.s32 @p1 $0x1;
	p0 =	seq.s32 s7, s2  }
0x1e: {  	s7 =	smul.u32 @!p0 $0xF7A, s2;
	p2 =	seq.s32 @!p0 s5, $0x0  }
0x1f: {  	s9 =	smul.u32 $0xF7A, s1;
	s8 =	simm.s32 @!p0 $0x1BF5;
	p2 =	por !p2, p0  }
0x20: {  	[sflag:s8] =	ssyncset.s32 @!p0 $0xFFFFF086;
	s6 =	sadd.s32 @!p0 s3, s7;
	s7 =	simm.s32 @!p0 $0x108  }
0x21: {  	s3 =	sadd.s32 s3, s9;
	s6 =	sadd.s32 @!p0 $0x88, s6;
	s7 =	simm.s32 @p2 $0x1082  }
0x22: {  	[simem:s7], [sflag:s8] =	dma.local @!p0 [hbm:s6], $0xF7A  }
0x23: {  	s9 =	sor.u32 $0xD0000000, s2;
	s6 =	simm.s32 $0x108;
	_ =	swait.ge @!p0 [sflag:s8], $0x0  }
0x24: {  	s3 =	sadd.s32 $0x88, s3;
	s6 =	simm.s32 @!p1 $0x1082;
	[sflag:s4] =	ssyncset.s32 $0xFFFFF086  }
0x25: {  	[simem:s6], [sflag:s4] =	dma.local [hbm:s3], $0xF7A  }
0x26: {  	[smem:$0x3F9C] =	sst s1;
	(tag) =	ssettag s2;
	_ =	strace s9  }
0x27: {  	s1 =	sld [smem:$0x3FAC]  }
0x28: {  	s2 =	sld [smem:$0x3FAD]  }
0x29: {  	s4 =	sld [smem:$0x3FAF]  }
0x2a: {  	p0 =	seq.s32 s5, $0x0;
	s5 =	sld [smem:$0x3FB0]  }
0x2b: {  	s6 =	sld [smem:$0x3FB1]  }
0x2c: {  	s7 =	sld [smem:$0x3FB2]  }
0x2d: {  	s3 =	simm.s32 $0x108;
	s8 =	sld [smem:$0x3FB3]  }
0x2e: {  	s3 =	simm.s32 @!p0 $0x1082;
	s9 =	sld [smem:$0x3FB4]  }
0x2f: {  	lr =	sadd.s32 s0, s3;
	s0 =	sld [smem:$0x3FAB]  }
0x30: {  	s3 =	sld [smem:$0x3FAE]  }
0x31: {  	[smem:$0x3FB7] =	sst s10  }
0x32: {  	s10 =	sld [smem:$0x3FB5];
	_ =	sdelay $0x3  }
0x33: {  	p0 =	seq.s32 s10, $0x1;
	s10 =	sld [smem:$0x3FB7];
	_ =	sdelay $0x3  }
0x34: {  	[smem:$0x3FB7] =	sst s10  }
0x35: {  	s10 =	sld [smem:$0x3FB6];
	_ =	sdelay $0x3  }
0x36: {  	p1 =	seq.s32 s10, $0x1;
	s10 =	sld [smem:$0x3FB7];
	_ =	sdelay $0x3  }
0x37: {  	[smem:$0x3FB7] =	sst s10  }
0x38: {  	s10 =	sld [smem:$0x3FB8]  }
0x39: {  	_ = 	snop;
	(pc) =	sbr.ind lr, $3  }
0x3a: {  	_ = 	snop  }
0x3b: {  	_ = 	snop  }
0x3c: {  	p2 =	seq.s32 s10, $0x1;
	s10 =	sld [smem:$0x3FB7]  }
0x3d: {  	_ =	shalt  }
0x3e: {  	_ =	shalt  }
0x3f: {  	_ =	shalt  }
0x40: {  	_ =	shalt  }
0x41: {  	_ =	shalt  }
0x42: {  	_ =	shalt  }
0x43: {  	_ =	shalt  }
0x44: {  	_ =	shalt  }
0x45: {  	_ =	shalt  }
0x46: {  	_ =	shalt  }
0x47: {  	_ =	shalt  }
0x48: {  	_ =	shalt  }
0x49: {  	_ =	shalt  }
0x4a: {  	_ =	shalt  }
0x4b: {  	_ =	shalt  }
0x4c: {  	_ =	shalt  }
0x4d: {  	_ =	shalt  }
0x4e: {  	_ =	shalt  }
0x4f: {  	_ =	shalt  }
0x50: {  	_ =	shalt  }
0x51: {  	_ =	shalt  }
0x52: {  	_ =	shalt  }
0x53: {  	_ =	shalt  }
0x54: {  	_ =	shalt  }
0x55: {  	_ =	shalt  }
0x56: {  	_ =	shalt  }
0x57: {  	_ =	shalt  }
0x58: {  	_ =	shalt  }
0x59: {  	_ =	shalt  }
0x5a: {  	_ =	shalt  }
0x5b: {  	_ =	shalt  }
0x5c: {  	_ =	shalt  }
0x5d: {  	_ =	shalt  }
0x5e: {  	_ =	shalt  }
0x5f: {  	_ =	shalt  }
0x60: {  	_ =	shalt  }
0x61: {  	_ =	shalt  }
0x62: {  	_ =	shalt  }
0x63: {  	_ =	shalt  }
0x64: {  	_ =	shalt  }
0x65: {  	_ =	shalt  }
0x66: {  	_ =	shalt  }
0x67: {  	_ =	shalt  }
0x68: {  	_ =	shalt  }
0x69: {  	_ =	shalt  }
0x6a: {  	_ =	shalt  }
0x6b: {  	_ =	shalt  }
0x6c: {  	_ =	shalt  }
0x6d: {  	_ =	shalt  }
0x6e: {  	_ =	shalt  }
0x6f: {  	_ =	shalt  }
0x70: {  	_ =	shalt  }
0x71: {  	_ =	shalt  }
0x72: {  	_ =	shalt  }
0x73: {  	_ =	shalt  }
0x74: {  	_ =	shalt  }
0x75: {  	_ =	shalt  }
0x76: {  	_ =	shalt  }
0x77: {  	_ =	shalt  }
0x78: {  	_ =	shalt  }
0x79: {  	_ =	shalt  }
0x7a: {  	_ =	shalt  }
0x7b: {  	_ =	shalt  }
0x7c: {  	_ =	shalt  }
0x7d: {  	_ =	shalt  }
0x7e: {  	_ =	shalt  }
0x7f: {  	_ =	shalt  }
0x80: {  	_ =	shalt  }
0x81: {  	_ =	shalt  }
0x82: {  	_ =	shalt  }
0x83: {  	_ =	shalt  }
0x84: {  	_ =	shalt  }
0x85: {  	_ =	shalt  }
0x86: {  	_ =	shalt  }
0x87: {  	_ =	shalt  }
.Lfunc_end0:
.L_simem_size_0:
called_computation_lowered:
.L_overlay_start_0:
0x88: {  	s2 =	sld [smem:$0x3FD9]  }
0x89: {  	s3 =	sld [smem:$0x3FFE];
	_ =	sdelay $0x1  }
0x8a: {  	s1 =	srdreg.scid  }
0x8b: {  	s0 =	sand.u32 $0x1, s1  }
0x8c: {  	s14 =	sshll.u32 s0, $0xA;
	s2 =	sadd.s32 s3, s2  }
0x8d: {  	s2 =	sadd.s32 s2, s14  }
0x8e: {  	[smem:$0x3FC3] =	sst s2  }
0x8f: {  	_ = 	snop  }
0x90: {  	s2 =	sld [smem:$0x3FD0];
	_ =	sdelay $0x1  }
0x91: {  	s15 =	sld [smem:$0x3FC9]  }
0x92: {  	s5 =	simm.s32 $0xA;
	s6 =	simm.s32 $0x10;
	s4 =	sld [smem:$0x3FC5]  }
0x93: {  	[smem:s6], [sflag:s5] =	dma.local [hbm:s2], $0x1  }
0x94: {  	_ =	swait.eq [sflag:s5], $0x1  }
0x95: {  	[sflag:s5] =	ssyncset.done $0x0  }
0x96: {  	s16 =	sld [smem:$0x10];
	[sflag:s5] =	ssyncadd.s32 $0xFFFFFFFF  }
0x97: {  	s17 =	sld [smem:$0x12];
	(tm) =	ssettm $0x1  }
0x98: {  	s18 =	sld [smem:$0x3FFB];
	_ =	sdelay $0x3  }
0x99: {  	_ =	strace s18  }
0x9a: {  	s6 =	sld [smem:$0x3FFC];
	_ =	sdelay $0x3  }
0x9b: {  	_ =	strace s6  }
0x9c: {  	s6 =	sld [smem:$0x3FFD];
	_ =	sdelay $0x3  }
0x9d: {  	_ =	strace s6  }
0x9e: {  	_ =	strace $0x8FFFFFFF  }
0x9f: {  	s19 =	sld [smem:$0x3FDB];
	_ =	sdelay $0x1  }
0xa0: {  	s7 =	simm.s32 $_scs_section_size  }
0xa1: {  	s8 =	simm.s32 $_size__tile_overlayer_lowered;
	s9 =	simm.s32 $_tile_overlayer_lowered  }
0xa2: {  	s22 =	simm.s32 $0x1BFF;
	s21 =	sshll.u32 s9, $0x1;
	s6 =	sadd.s32 s7, s19  }
0xa3: {  	s10 =	simm.s32 $0x0;
	s20 =	sshll.u32 s8, $0x1;
	s8 =	sadd.s32 s21, s6  }
0xa4: {  	[timem:s10], [sflag:s22] =	dma.local [hbm:s8], s20  }
0xa5: {  	_ =	swait.ge [sflag:s22], s20  }
0xa6: {  	s7 =	ssub.s32 $0x0, s20;
	[sflag:s22] =	ssyncset.done $0x0  }
0xa7: {  	[sflag:s22] =	ssyncadd.s32 s7;
	_ =	sdelay $0x1  }
0xa8: {  	s23 =	simm.s32 $0x1B8B  }
0xa9: {  	_ =	swait.ge [sflag:s23], $0x1  }
0xaa: {  	[sflag:s23] =	ssyncset.done $0x0  }
0xab: {  	s25 =	simm.s32 $0x1B8E;
	s24 =	sld [smem:$0x3FFE];
	[sflag:s23] =	ssyncadd.s32 $0xFFFFFFFF  }
0xac: {  	s26 =	simm.s32 $execute0_lowered;
	[smem:$0x3FD2] =	sst s25  }
0xad: {  	s8 =	sshll.u32 s26, $0x1;
	_ =	strace $0x80000046;
	[dreg:$0x1] =	wrdreg $0xFFFFFFFF  }
0xae: {  	s28 =	simm.s32 $_size_execute0_lowered;
	s6 =	sadd.s32 s6, s8;
	[dreg:$0x0] =	wrdreg $0x0  }
0xaf: {  	s8 =	sshll.u32 s28, $0x1;
	[dreg:$0x2] =	wrdreg s6  }
0xb0: {  	[dreg:$0x3] =	wrdreg s8  }
0xb1: {  	[dreg:$0x4] =	wrdreg $0xC0  }
0xb2: {  	_ =	task [dreg:s10], $0x5FFFF  }
0xb3: {  	[dreg:$0x1] =	wrdreg $0xFFFFFFFF  }
0xb4: {  	[dreg:$0x0] =	wrdreg $0x60  }
0xb5: {  	[dreg:$0x2] =	wrdreg s17  }
0xb6: {  	[dreg:$0x3] =	wrdreg s15  }
0xb7: {  	[dreg:$0x4] =	wrdreg s4  }
0xb8: {  	[dreg:$0x5] =	wrdreg s16  }
0xb9: {  	[dreg:$0x6] =	wrdreg s24  }
0xba: {  	[dreg:$0x7] =	wrdreg $0x9  }
0xbb: {  	_ =	task.clear_ibuf [dreg:s10], $0x8FFFF;
	_ =	strace $0x90000046  }
0xbc: {  	s29 =	simm.s32 $0x9;
	_ =	strace $0x80000048  }
0xbd: {  	_ =	swait.ge [sflag:s29], $0x1  }
0xbe: {  	[sflag:s29] =	ssyncadd.s32 $0xFFFFFFFF  }
0xbf: {  	_ =	strace $0x90000048  }
0xc0: {  	_ =	sfence  }
0xc1: {  	s30 =	sld [smem:$0x0];
	_ =	sdelay $0x2  }
0xc2: {  	s31 =	sshll.u32 s1, $0xD;
	s1 =	sshrl.u32 s1, $0x2  }
0xc3: {  	s3 =	sand.u32 $0x4000, s31;
	s1 =	sadd.s32 s1, s30  }
0xc4: {  	s0 =	sor.u32 s3, s0;
	s1 =	sshll.u32 s1, $0x11  }
0xc5: {  	s0 =	sor.u32 s1, s0  }
0xc6: {  	s0 =	sadd.s32 $0x8F2B, s0  }
0xc7: {  	[sflag:s0] =	ssyncadd.remote.s32 $0x1  }
0xc8: {  	_ =	sfence.sel $0xFFFF  }
0xc9: {  	[dreg:$0x0] =	wrdreg $0xFFFFFFFF;
	(pc) =	sbr.abs _section_cstart, $3  }
0xca: {  	[dreg:$0x1] =	wrdreg $0xFFFFFFFF  }
0xcb: {  	_ =	task.clear_ibuf [dreg:s10], $0x2FFFF;
	_ =	strace $0x9FFFFFFF  }
0xcc: {  	(tm) =	ssettm $0x7FFFFFFF  }
0xcd: {  	_ =	shalt  }
tec
execute0_lowered:
.L_overlay_start_1:
0x0: {  	(tag) =	ssettag $0x1  }
0x1: {  	s1 =	stileid.u32  }
0x2: {  	s7 =	sand.u32 $0x7, s1  }
0x3: {  	s0 =	rddreg [dreg:$0x0];
	p0 =	sne.s32 s7, $0x0  }
.Ltmp0:
0x4: {  	s2 =	rddreg [dreg:$0x1];
	(pc) =	sbr.rel @p0 .LBB2_3-.Ltmp0, $4  }
0x5: {  	s3 =	rddreg [dreg:$0x2]  }
0x6: {  	s5 =	rddreg [dreg:$0x3];
	s4 =	simm.s32 $0x0  }
0x7: {  	[smem:$0x7FF] =	sst s4  }
0x8: {  	s6 =	rddreg [dreg:$0x4];
	_ =	strace $0x80000047  }
0x9: {  	s9 =	simm.s32 $0x900  }
0xa: {  	s10 =	simm.s32 $0x1100;
	[dreg:$0x9] =	wrdreg s9  }
0xb: {  	s12 =	simm.s32 $0x1900;
	[dreg:$0xa] =	wrdreg s10  }
0xc: {  	s7 =	srdreg.scid;
	s13 =	simm.s32 $0x2100;
	[dreg:$0xb] =	wrdreg s12  }
0xd: {  	s1 =	stileid.u32;
	s14 =	simm.s32 $0x2900;
	[dreg:$0xc] =	wrdreg s13  }
0xe: {  	s15 =	simm.s32 $0x3100;
	s16 =	simm.s32 $0x3900;
	[dreg:$0xd] =	wrdreg s14  }
0xf: {  	s17 =	simm.s32 $0x4100;
	s18 =	simm.s32 $0x4900;
	[dreg:$0xe] =	wrdreg s15  }
0x10: {  	s19 =	simm.s32 $0x5100;
	s20 =	simm.s32 $0x5900;
	[dreg:$0xf] =	wrdreg s16  }
0x11: {  	s21 =	simm.s32 $0x6100;
	s22 =	simm.s32 $0x6900;
	[dreg:$0x10] =	wrdreg s17  }
0x12: {  	s24 =	simm.s32 $0x7100;
	s25 =	simm.s32 $0x7900;
	[dreg:$0x11] =	wrdreg s18  }
0x13: {  	s26 =	simm.s32 $0x8900;
	s28 =	simm.s32 $0xE100;
	[dreg:$0x12] =	wrdreg s19  }
0x14: {  	s29 =	simm.s32 $0xE900;
	s30 =	simm.s32 $0xF100;
	[dreg:$0x13] =	wrdreg s20  }
0x15: {  	s31 =	simm.s32 $0xF900;
	s11 =	sand.u32 $0x1, s7;
	[dreg:$0x14] =	wrdreg s21  }
0x16: {  	s8 =	sshrl.u32 s1, $0x3;
	s9 =	sadd.s32 $0x200, s3;
	[dreg:$0x15] =	wrdreg s22  }
0x17: {  	s10 =	sadd.s32 $0x300, s3;
	s13 =	simm.s32 $0x80;
	[dreg:$0x16] =	wrdreg s24  }
0x18: {  	s14 =	simm.s32 $0x100;
	[dreg:$0x17] =	wrdreg s25;
	s15 =	simm.s32 $0x1  }
0x19: {  	s16 =	simm.s32 $0x8100;
	[dreg:$0x18] =	wrdreg s26;
	s18 =	simm.s32 $0x9900  }
0x1a: {  	s19 =	simm.s32 $0xA100;
	s20 =	simm.s32 $0xA900;
	s21 =	simm.s32 $0xB100  }
0x1b: {  	s22 =	simm.s32 $0xB900;
	s24 =	simm.s32 $0xC900;
	s7 =	sshll.u32 s11, $0x1  }
0x1c: {  	s25 =	simm.s32 $0xD100;
	s11 =	ssub.s32 $0x2, s11;
	s7 =	sor.u32 s8, s7  }
0x1d: {  	s26 =	simm.s32 $0xD900;
	s12 =	sshrl.u32 s11, $0x1;
	s8 =	sshll.u32 s7, $0xC  }
0x1e: {  	s23 =	sshll.u32 s7, $0xD;
	s11 =	ssub.s32 s11, s12;
	s12 =	simm.s32 $0x3  }
0x1f: {  	s6 =	sadd.s32 s8, s6;
	s5 =	sadd.s32 s5, s8;
	s8 =	sshll.u32 s7, $0x4  }
0x20: {  	s7 =	sadd.s32 $0x300, s2;
	s11 =	smax.u32 s11, $0x1;
	v0 =	vmov s23;
	s23 =	simm.s32 $0xC100  }
0x21: {  	v1 =	vlaneseq.u32;
	[dreg:$0x6] =	wrdreg s5;
	s6 =	sadd.s32 $0x1200, s6;
	s0 =	sadd.s32 s0, s8  }
0x22: {  	vm0 =	vmmov $0xffff;
	v2 =	vor.u32 $0x10, v1;
	v4 =	vshrl.u32 v1, $0x3;
	s5 =	sadd.s32 $0x100, s2;
	s8 =	sadd.s32 $0x100, s3;
	[dreg:$0x7] =	wrdreg s6  }
0x23: {  	v3 =	vand.u32 $0x7, v1;
	v5 =	vor.u32 $0x8, v1;
	v4 =	vmul.u32 $0x8, v4;
	[dreg:$0x8] =	wrdreg s0;
	s6 =	sadd.s32 $0x200, s2;
	s0 =	simm.s32 $0x2  }
.LBB2_2:
0x24: {  	s1 =	rddreg [dreg:$0x8]  }
0x25: {  	[tilespmem:s4], [sflag:$0x3] =	stream.linear.gather [hbm4b:s1+s4], $0x80, $0x38;
	[tilespmem:$0x10100] =	vst v63  }
0x26: {  	_ =	swait.ge [sflag:s12], $0x80  }
0x27: {  	[sflag:s12] =	ssyncset.done $0x0  }
0x28: {  	[sflag:s12] =	ssyncadd.s32 $0xFFFFFF80  }
0x29: {  	v6 =	vld.idx.msk [tilespmem:v1+s4+$0x0], $0xffff  }
0x2a: {  	v7 =	vld.idx.msk [tilespmem:v2+s4+$0x0], $0xffff;
	_ =	sdelay $0x3  }
0x2b: {  	v8 =	vadd.s32 v0, v6  }
0x2c: {  	v62 =	vadd.s32 v0, v7;
	[tilespmem:v1+s13+$0x0] =	vst.idx.msk $0xffff, v8  }
0x2d: {  	[tilespmem:v2+s13+$0x0] =	vst.idx.msk $0xffff, v62  }
0x2e: {  	v8 =	vld [tilespmem:$0x80];
	_ =	sdelay $0x4  }
0x2f: {  	v9 =	vshll.u32 v8, $0x3  }
0x30: {  	v8 =	vand.u32 $0x7, v8;
	v9 =	vand.u32 $0xFFFFFFC0, v9  }
0x31: {  	v8 =	vor.u32 v8, v9  }
0x32: {  	v9 =	vperm.xlane v8, v3;
	_ =	sdelay $0x1  }
0x33: {  	v9 =	vadd.s32 v4, v9;
	_ =	sdelay $0x4  }
0x34: {  	[tilespmem:s14], [sflag:$0x1] =	stream.indirect_vreg.gather [hbm4b:s2+s4], $0x80, v9, vm0, $0xb8;
	[tilespmem:$0x10100] =	vst v63  }
0x35: {  	s1 =	rddreg [dreg:$0x9];
	v8 =	vperm.xlane v8, v5  }
0x36: {  	[tilespmem:s1], [sflag:$0x1] =	stream.indirect_vreg.gather [hbm4b:s5+s4], $0x80, v9, vm0, $0xb8;
	[tilespmem:$0x10100] =	vst v63  }
0x37: {  	s17 =	rddreg [dreg:$0xa];
	v8 =	vadd.s32 v4, v8  }
0x38: {  	[tilespmem:s17], [sflag:$0x1] =	stream.indirect_vreg.gather [hbm4b:s6+s4], $0x80, v9, vm0, $0xb8;
	[tilespmem:$0x10100] =	vst v63  }
0x39: {  	s1 =	rddreg [dreg:$0xb]  }
0x3a: {  	[tilespmem:s1], [sflag:$0x1] =	stream.indirect_vreg.gather [hbm4b:s7+s4], $0x80, v9, vm0, $0xb8;
	[tilespmem:$0x10100] =	vst v63  }
0x3b: {  	s17 =	rddreg [dreg:$0xc]  }
0x3c: {  	[tilespmem:s17], [sflag:$0x1] =	stream.indirect_vreg.gather [hbm4b:s2+s4], $0x80, v8, vm0, $0xb8;
	[tilespmem:$0x10100] =	vst v63  }
0x3d: {  	s1 =	rddreg [dreg:$0xd]  }
0x3e: {  	[tilespmem:s1], [sflag:$0x1] =	stream.indirect_vreg.gather [hbm4b:s5+s4], $0x80, v8, vm0, $0xb8;
	[tilespmem:$0x10100] =	vst v63  }
0x3f: {  	s17 =	rddreg [dreg:$0xe]  }
0x40: {  	[tilespmem:s17], [sflag:$0x1] =	stream.indirect_vreg.gather [hbm4b:s6+s4], $0x80, v8, vm0, $0xb8;
	[tilespmem:$0x10100] =	vst v63  }
0x41: {  	s1 =	rddreg [dreg:$0xf]  }
0x42: {  	[tilespmem:s1], [sflag:$0x1] =	stream.indirect_vreg.gather [hbm4b:s7+s4], $0x80, v8, vm0, $0xb8;
	[tilespmem:$0x10100] =	vst v63  }
0x43: {  	v8 =	vld [tilespmem:$0x90];
	_ =	sdelay $0x4  }
0x44: {  	v63 =	vshll.u32 v8, $0x3  }
0x45: {  	v8 =	vand.u32 $0x7, v8;
	v9 =	vand.u32 $0xFFFFFFC0, v63  }
0x46: {  	v8 =	vor.u32 v8, v9  }
0x47: {  	v9 =	vperm.xlane v8, v3;
	_ =	sdelay $0x1  }
0x48: {  	v9 =	vadd.s32 v4, v9;
	_ =	sdelay $0x3  }
0x49: {  	s1 =	rddreg [dreg:$0x10]  }
0x4a: {  	[tilespmem:s1], [sflag:$0x1] =	stream.indirect_vreg.gather [hbm4b:s2+s4], $0x80, v9, vm0, $0xb8;
	[tilespmem:$0x10100] =	vst v63  }
0x4b: {  	s17 =	rddreg [dreg:$0x11];
	v8 =	vperm.xlane v8, v5  }
0x4c: {  	[tilespmem:s17], [sflag:$0x1] =	stream.indirect_vreg.gather [hbm4b:s5+s4], $0x80, v9, vm0, $0xb8;
	[tilespmem:$0x10100] =	vst v63  }
0x4d: {  	v8 =	vadd.s32 v4, v8;
	s1 =	rddreg [dreg:$0x12]  }
0x4e: {  	[tilespmem:s1], [sflag:$0x1] =	stream.indirect_vreg.gather [hbm4b:s6+s4], $0x80, v9, vm0, $0xb8;
	[tilespmem:$0x10100] =	vst v63  }
0x4f: {  	s17 =	rddreg [dreg:$0x13]  }
0x50: {  	[tilespmem:s17], [sflag:$0x1] =	stream.indirect_vreg.gather [hbm4b:s7+s4], $0x80, v9, vm0, $0xb8;
	[tilespmem:$0x10100] =	vst v63  }
0x51: {  	s1 =	rddreg [dreg:$0x14]  }
0x52: {  	[tilespmem:s1], [sflag:$0x1] =	stream.indirect_vreg.gather [hbm4b:s2+s4], $0x80, v8, vm0, $0xb8;
	[tilespmem:$0x10100] =	vst v63  }
0x53: {  	s17 =	rddreg [dreg:$0x15]  }
0x54: {  	[tilespmem:s17], [sflag:$0x1] =	stream.indirect_vreg.gather [hbm4b:s5+s4], $0x80, v8, vm0, $0xb8;
	[tilespmem:$0x10100] =	vst v63  }
0x55: {  	s1 =	rddreg [dreg:$0x16]  }
0x56: {  	[tilespmem:s1], [sflag:$0x1] =	stream.indirect_vreg.gather [hbm4b:s6+s4], $0x80, v8, vm0, $0xb8;
	[tilespmem:$0x10100] =	vst v63  }
0x57: {  	s17 =	rddreg [dreg:$0x17]  }
0x58: {  	[tilespmem:s17], [sflag:$0x1] =	stream.indirect_vreg.gather [hbm4b:s7+s4], $0x80, v8, vm0, $0xb8;
	[tilespmem:$0x10100] =	vst v63  }
0x59: {  	_ =	swait.ge [sflag:s15], $0x8000  }
0x5a: {  	[sflag:s15] =	ssyncset.done $0x0  }
0x5b: {  	s17 =	rddreg [dreg:$0x6];
	[sflag:s15] =	ssyncadd.s32 $0xFFFF8000  }
0x5c: {  	[hbm4b:s17+s4] =	stream.linear.scatter [tilespmem:s14], [sflag:$0x3], $0x8000, $0x38;
	[tilespmem:$0x10100] =	vst v63  }
0x5d: {  	_ =	swait.ge [sflag:s12], $0x8000  }
0x5e: {  	vm1 =	vlt.s32 v6, $0x1FF;
	[sflag:s12] =	ssyncset.done $0x0  }
0x5f: {  	v6 =	vnsel vm1, $0x1FF, v6;
	vm1 =	vlt.s32 v7, $0x1FF;
	[sflag:s12] =	ssyncadd.s32 $0xFFFF8000  }
0x60: {  	[tilespmem:v1+s13+$0x0] =	vst.idx.msk $0xffff, v6;
	v6 =	vnsel vm1, $0x1FF, v7  }
0x61: {  	[tilespmem:v2+s13+$0x0] =	vst.idx.msk $0xffff, v6  }
0x62: {  	v6 =	vld [tilespmem:$0x80];
	_ =	sdelay $0x4  }
0x63: {  	v7 =	vshll.u32 v6, $0x3  }
0x64: {  	v6 =	vand.u32 $0x7, v6;
	v7 =	vand.u32 $0xFFFFFFC0, v7  }
0x65: {  	v6 =	vor.u32 v6, v7  }
0x66: {  	v7 =	vperm.xlane v6, v3;
	_ =	sdelay $0x1  }
0x67: {  	v7 =	vadd.s32 v4, v7;
	_ =	sdelay $0x4  }
0x68: {  	[tilespmem:s16], [sflag:$0x2] =	stream.indirect_vreg.gather [hbm4b:s3+s4], $0x80, v7, vm0, $0xb8;
	[tilespmem:$0x10100] =	vst v63  }
0x69: {  	s17 =	rddreg [dreg:$0x18];
	v6 =	vperm.xlane v6, v5  }
0x6a: {  	[tilespmem:s17], [sflag:$0x2] =	stream.indirect_vreg.gather [hbm4b:s8+s4], $0x80, v7, vm0, $0xb8;
	[tilespmem:$0x10100] =	vst v63  }
0x6b: {  	v6 =	vadd.s32 v4, v6;
	s17 =	simm.s32 $0x9100  }
0x6c: {  	[tilespmem:s17], [sflag:$0x2] =	stream.indirect_vreg.gather [hbm4b:s9+s4], $0x80, v7, vm0, $0xb8;
	[tilespmem:$0x10100] =	vst v63  }
0x6d: {  	_ = 	snop  }
0x6e: {  	[tilespmem:s18], [sflag:$0x2] =	stream.indirect_vreg.gather [hbm4b:s10+s4], $0x80, v7, vm0, $0xb8;
	[tilespmem:$0x10100] =	vst v63  }
0x6f: {  	_ = 	snop  }
0x70: {  	[tilespmem:s19], [sflag:$0x2] =	stream.indirect_vreg.gather [hbm4b:s3+s4], $0x80, v6, vm0, $0xb8;
	[tilespmem:$0x10100] =	vst v63  }
0x71: {  	_ = 	snop  }
0x72: {  	[tilespmem:s20], [sflag:$0x2] =	stream.indirect_vreg.gather [hbm4b:s8+s4], $0x80, v6, vm0, $0xb8;
	[tilespmem:$0x10100] =	vst v63  }
0x73: {  	_ = 	snop  }
0x74: {  	[tilespmem:s21], [sflag:$0x2] =	stream.indirect_vreg.gather [hbm4b:s9+s4], $0x80, v6, vm0, $0xb8;
	[tilespmem:$0x10100] =	vst v63  }
0x75: {  	_ = 	snop  }
0x76: {  	[tilespmem:s22], [sflag:$0x2] =	stream.indirect_vreg.gather [hbm4b:s10+s4], $0x80, v6, vm0, $0xb8;
	[tilespmem:$0x10100] =	vst v63  }
0x77: {  	v6 =	vld [tilespmem:$0x90];
	_ =	sdelay $0x4  }
0x78: {  	v7 =	vshll.u32 v6, $0x3  }
0x79: {  	v6 =	vand.u32 $0x7, v6;
	v7 =	vand.u32 $0xFFFFFFC0, v7  }
0x7a: {  	v6 =	vor.u32 v6, v7  }
0x7b: {  	v7 =	vperm.xlane v6, v3;
	_ =	sdelay $0x1  }
0x7c: {  	v7 =	vadd.s32 v4, v7;
	_ =	sdelay $0x4  }
0x7d: {  	[tilespmem:s23], [sflag:$0x2] =	stream.indirect_vreg.gather [hbm4b:s3+s4], $0x80, v7, vm0, $0xb8;
	[tilespmem:$0x10100] =	vst v63  }
0x7e: {  	v6 =	vperm.xlane v6, v5  }
0x7f: {  	[tilespmem:s24], [sflag:$0x2] =	stream.indirect_vreg.gather [hbm4b:s8+s4], $0x80, v7, vm0, $0xb8;
	[tilespmem:$0x10100] =	vst v63  }
0x80: {  	v6 =	vadd.s32 v4, v6  }
0x81: {  	[tilespmem:s25], [sflag:$0x2] =	stream.indirect_vreg.gather [hbm4b:s9+s4], $0x80, v7, vm0, $0xb8;
	[tilespmem:$0x10100] =	vst v63  }
0x82: {  	_ = 	snop  }
0x83: {  	[tilespmem:s26], [sflag:$0x2] =	stream.indirect_vreg.gather [hbm4b:s10+s4], $0x80, v7, vm0, $0xb8;
	[tilespmem:$0x10100] =	vst v63  }
0x84: {  	_ = 	snop  }
0x85: {  	[tilespmem:s28], [sflag:$0x2] =	stream.indirect_vreg.gather [hbm4b:s3+s4], $0x80, v6, vm0, $0xb8;
	[tilespmem:$0x10100] =	vst v63  }
0x86: {  	_ = 	snop  }
0x87: {  	[tilespmem:s29], [sflag:$0x2] =	stream.indirect_vreg.gather [hbm4b:s8+s4], $0x80, v6, vm0, $0xb8;
	[tilespmem:$0x10100] =	vst v63  }
0x88: {  	_ = 	snop  }
0x89: {  	[tilespmem:s30], [sflag:$0x2] =	stream.indirect_vreg.gather [hbm4b:s9+s4], $0x80, v6, vm0, $0xb8;
	[tilespmem:$0x10100] =	vst v63  }
0x8a: {  	_ = 	snop  }
0x8b: {  	[tilespmem:s31], [sflag:$0x2] =	stream.indirect_vreg.gather [hbm4b:s10+s4], $0x80, v6, vm0, $0xb8;
	[tilespmem:$0x10100] =	vst v63  }
0x8c: {  	_ =	swait.ge [sflag:s0], $0x8000  }
0x8d: {  	p0 =	sne.s32 s11, $0x1;
	[sflag:s0] =	ssyncset.done $0x0  }
.Ltmp1:
0x8e: {  	s17 =	rddreg [dreg:$0x7];
	[sflag:s0] =	ssyncadd.s32 $0xFFFF8000;
	(pc) =	sbr.rel @p0 .LBB2_2-.Ltmp1, $4  }
0x8f: {  	[hbm4b:s17+s4] =	stream.linear.scatter [tilespmem:s16], [sflag:$0x3], $0x8000, $0x38;
	[tilespmem:$0x10100] =	vst v63  }
0x90: {  	_ =	swait.ge [sflag:s12], $0x8000  }
0x91: {  	[sflag:s12] =	ssyncset.done $0x0  }
0x92: {  	s11 =	sadd.s32 $0xFFFFFFFF, s11;
	[sflag:s12] =	ssyncadd.s32 $0xFFFF8000  }
.LBB2_3:
0x93: {  	_ =	sfence.sel $0x180000  }
0x94: {  	[bflag:$0x0] =	sbarrier.arrive $0xFFFF  }
0x95: {  	_ =	strace $0x90000047  }
0x96: {  	s0 =	stileid.u32;
	[bflag:$0x2] =	sbarrier.arrive $0xFFFF  }
0x97: {  	p0 =	sne.s32 s0, $0x0;
	s0 =	rddreg [dreg:$0x5]  }
0x98: {  	s0 =	sadd.s32 @!p0 $0x100000, s0  }
0x99: {  	[sflag:s0] =	ssyncadd.tile.s32 @!p0 $0x1;
	_ =	shalt  }
.Lfunc_end2:
_tile_overlayer_lowered:
.L_overlay_start_2:
0x9a: {  	(tag) =	ssettag $0x2  }
0x9b: {  	s0 =	rddreg [dreg:$0x0];
	s2 =	stileid.u32  }
0x9c: {  	s1 =	rddreg [dreg:$0x1];
	p0 =	sne.s32 s2, $0x0  }
0x9d: {  	s3 =	rddreg [dreg:$0x2];
	[bflag:$0x3] =	sbarrier.arrive $0xFFFF;
	s2 =	simm.s32 @!p0 $0x1C03  }
0x9e: {  	[timem:s3], [sflag:s2] =	dma.local @!p0 [hbm:s0], s1  }
0x9f: {  	s0 =	simm.s32 @!p0 $0x3  }
0xa0: {  	_ =	swait.ge @!p0 [sflag:s0], s1  }
0xa1: {  	s1 =	ssub.s32 @!p0 $0x0, s1;
	[sflag:s0] =	ssyncset.done @!p0 $0x0  }
0xa2: {  	[sflag:s0] =	ssyncadd.s32 @!p0 s1  }
0xa3: {  	[bflag:$0x3] =	sbarrier.arrive $0xFFFF  }
0xa4: {  	_ =	shalt  }

</sc_bundles>
